<compile_context>
chip_gen: v7x
topology: tpu7x:2x2x1
jax: 0.10.2.dev20260603
libtpu: 0.0.44.dev20260713+nightly
codegen_flags: <defaults>
</compile_context>

<pallas_src>
import functools

import jax
import jax.numpy as jnp
from jax import lax
from jax.experimental import pallas as pl
from jax.experimental.pallas import tpu as pltpu
from jax.experimental.pallas import tpu_sc as plsc

B = 1024
N = 100000
D = 128
K = 32
EPS = 1e-5

NPAD = 102400
CB = 4096
QB = 256
SG = 128
NSG = NPAD // SG
SPB = CB // SG
GMW = (NPAD // CB) * SG
POOL = K * SG

_F32 = jnp.float32
_I32 = jnp.int32


def _dott(a, b):
    return lax.dot_general(a, b, (((1,), (1,)), ((), ())),
                           preferred_element_type=_F32)


def _embed_block(h, we, be, g1, b1, wm1, bm1, wm2, bm2, g2, b2):
    inv = 1.0 / jnp.sqrt(jnp.asarray(1.0 + EPS, _F32))
    h = _dott(h, we) + be
    z = g1 * (h * inv) + b1
    z = jnp.maximum(_dott(z, wm1) + bm1, 0.0)
    h = _dott(z, wm2) + bm2
    return g2 * (h * inv) + b2


def _xside_body(x_ref, we, be, g1, b1, wm1, bm1, wm2, bm2, g2, b2, w0a, b0,
                xe_ref, qn_ref, a0_ref):
    h = _embed_block(x_ref[...], we[...], be[...], g1[...], b1[...], wm1[...],
                     bm1[...], wm2[...], bm2[...], g2[...], b2[...])
    xe_ref[...] = h
    qn_ref[...] = jnp.sum(h * h, axis=1, keepdims=True)
    a0_ref[...] = _dott(h, w0a[...]) + b0[...]


def _xside(x, we, be, g1, b1, wm1, bm1, wm2, bm2, g2, b2, w0a, b0):
    return pl.pallas_call(
        _xside_body,
        out_shape=(
            jax.ShapeDtypeStruct((B, D), _F32),
            jax.ShapeDtypeStruct((B, 1), _F32),
            jax.ShapeDtypeStruct((B, 2 * D), _F32),
        ),
    )(x, we, be, g1, b1, wm1, bm1, wm2, bm2, g2, b2, w0a, b0)


def _cemb_body(cx_ref, we, be, g1, b1, wm1, bm1, wm2, bm2, g2, b2,
               ce_ref, cn_ref):
    h = _embed_block(cx_ref[...], we[...], be[...], g1[...], b1[...],
                     wm1[...], bm1[...], wm2[...], bm2[...], g2[...], b2[...])
    ce_ref[...] = h
    cn = jnp.sum(h * h, axis=1, keepdims=True)
    grow = (lax.broadcasted_iota(_I32, (1024, 1), 0)
            + pl.program_id(0) * 1024)
    cn_ref[...] = jnp.where(grow >= N, 1e30, cn)


def _cand_embed(cx_pad, we, be, g1, b1, wm1, bm1, wm2, bm2, g2, b2):
    nblk = NPAD // 1024
    w = lambda s: pl.BlockSpec(s, lambda i: (0,) * len(s))
    return pl.pallas_call(
        _cemb_body,
        grid=(nblk,),
        in_specs=[pl.BlockSpec((1024, D), lambda i: (i, 0)),
                  w((D, D)), w((1, D)), w((1, D)), w((1, D)), w((D, D)),
                  w((1, D)), w((D, D)), w((1, D)), w((1, D)), w((1, D))],
        out_specs=(pl.BlockSpec((1024, D), lambda i: (i, 0)),
                   pl.BlockSpec((1024, 1), lambda i: (i, 0))),
        out_shape=(jax.ShapeDtypeStruct((NPAD, D), _F32),
                   jax.ShapeDtypeStruct((NPAD, 1), _F32)),
        compiler_params=pltpu.CompilerParams(
            dimension_semantics=("parallel",)),
    )(cx_pad, we, be, g1, b1, wm1, bm1, wm2, bm2, g2, b2)


def _dist_body(xe_ref, qn_ref, ce_ref, cn_ref, d2_ref, gm_ref):
    x = xe_ref[...]
    c = ce_ref[...]
    s = _dott(x, c)
    d2 = (qn_ref[...] - 2.0 * s) + cn_ref[...]
    d2_ref[...] = d2
    gsm = jnp.concatenate(
        [jnp.min(d2[:, a * SG:(a + 1) * SG], axis=1, keepdims=True)
         for a in range(SPB)], axis=1)
    gm_ref[...] = gsm.T


def _dist(xe, qn, ce, cnr):
    return pl.pallas_call(
        _dist_body,
        grid=(B // QB, NPAD // CB),
        in_specs=[pl.BlockSpec((QB, D), lambda i, j: (i, 0)),
                  pl.BlockSpec((QB, 1), lambda i, j: (i, 0)),
                  pl.BlockSpec((CB, D), lambda i, j: (j, 0)),
                  pl.BlockSpec((1, CB), lambda i, j: (0, j))],
        out_specs=(pl.BlockSpec((QB, CB), lambda i, j: (i, j)),
                   pl.BlockSpec((SPB, QB), lambda i, j: (j, i))),
        out_shape=(jax.ShapeDtypeStruct((B, NPAD), _F32),
                   jax.ShapeDtypeStruct((NSG, B), _F32)),
        compiler_params=pltpu.CompilerParams(
            dimension_semantics=("parallel", "parallel")),
    )(xe, qn, ce, cnr)


def _gtopk_body(gm_ref, gid_ref, pg_ref):
    v0 = gm_ref[...]
    srow = lax.broadcasted_iota(_I32, (NSG, QB), 0)
    rowt = lax.broadcasted_iota(_I32, (K, QB), 0)
    qcol = (lax.broadcasted_iota(_I32, (1, QB), 1)
            + pl.program_id(0) * QB)
    big = jnp.int32(2 ** 30)
    zer = jnp.zeros((K, QB), _I32)

    def step(t, carry):
        v, gidm, pgm = carry
        m = jnp.min(v, axis=0, keepdims=True)
        am = jnp.min(jnp.where(v <= m, srow, big), axis=0, keepdims=True)
        sel = rowt == t
        gidm = jnp.where(sel, am, gidm)
        pgm = jnp.where(sel, am + qcol * NSG, pgm)
        v = jnp.where(srow == am, jnp.inf, v)
        return v, gidm, pgm

    _, gidm, pgm = lax.fori_loop(0, K, step, (v0, zer, zer), unroll=8)
    gid_ref[...] = gidm
    pg_ref[...] = pgm


def _gtopk(gm):
    return pl.pallas_call(
        _gtopk_body,
        grid=(B // QB,),
        in_specs=[pl.BlockSpec((NSG, QB), lambda i: (0, i))],
        out_specs=(pl.BlockSpec((K, QB), lambda i: (0, i)),
                   pl.BlockSpec((K, QB), lambda i: (0, i))),
        out_shape=(jax.ShapeDtypeStruct((K, B), _I32),
                   jax.ShapeDtypeStruct((K, B), _I32)),
        compiler_params=pltpu.CompilerParams(
            dimension_semantics=("parallel",)),
    )(gm)


_NW = 32


def _sc_mesh():
    return plsc.VectorSubcoreMesh(core_axis_name="c", subcore_axis_name="s",
                                  num_cores=2, num_subcores=16)


def _sc_row_gather(tab, idx_flat, nrows_tab):
    nrows = B * K
    bpw = nrows // _NW
    npass = 4
    rpp = bpw // npass

    @functools.partial(
        pl.kernel, mesh=_sc_mesh(),
        out_type=jax.ShapeDtypeStruct((nrows, SG), _F32),
        scratch_types=[pltpu.VMEM((bpw,), _I32),
                       pltpu.VMEM((rpp, SG), _F32),
                       pltpu.SemaphoreType.DMA],
    )
    def k(tab_hbm, idx_hbm, out_hbm, idx_v, rows_v, sem):
        wid = lax.axis_index("s") * 2 + lax.axis_index("c")
        base = wid * bpw
        pltpu.sync_copy(idx_hbm.at[pl.ds(base, bpw)], idx_v)
        for p in range(npass):
            cps = [pltpu.async_copy(
                       tab_hbm.at[idx_v.at[pl.ds(p * rpp + ci * 128, 128)]],
                       rows_v.at[pl.ds(ci * 128, 128)], sem)
                   for ci in range(rpp // 128)]
            for cp in cps:
                cp.wait()
            pltpu.sync_copy(rows_v, out_hbm.at[pl.ds(base + p * rpp, rpp)])

    return k(tab, idx_flat)


def _pool_gather(d2rows, pgidx_flat):
    return _sc_row_gather(d2rows, pgidx_flat, B * NSG)


def _ptopk_body(pool_ref, gid_ref, idx_ref):
    v0 = pool_ref[...]
    g = gid_ref[...].astype(_F32)
    jj = lax.broadcasted_iota(_I32, (K, POOL), 0)
    ll = lax.broadcasted_iota(_I32, (K, POOL), 1)
    eye = jnp.where(ll // SG == jj, 1.0, 0.0).astype(_F32)
    gb = lax.dot_general(g, eye, (((1,), (0,)), ((), ())),
                         precision=lax.Precision.HIGHEST,
                         preferred_element_type=_F32)
    idxmat = ((gb + 0.5).astype(_I32) * SG
              + lax.broadcasted_iota(_I32, (QB, POOL), 1) % SG)
    big = jnp.int32(2 ** 30)
    col = lax.broadcasted_iota(_I32, (QB, K), 1)

    def step(t, carry):
        v, idxm = carry
        m = jnp.min(v, axis=1, keepdims=True)
        am = jnp.min(jnp.where(v <= m, idxmat, big), axis=1, keepdims=True)
        idxm = jnp.where(col == t, am, idxm)
        v = jnp.where(idxmat == am, jnp.inf, v)
        return v, idxm

    _, idxm = lax.fori_loop(0, K, step, (v0, jnp.zeros((QB, K), _I32)),
                            unroll=8)
    idx_ref[...] = idxm


def _ptopk(pool, gids):
    return pl.pallas_call(
        _ptopk_body,
        grid=(B // QB,),
        in_specs=[pl.BlockSpec((QB, POOL), lambda i: (i, 0)),
                  pl.BlockSpec((QB, K), lambda i: (i, 0))],
        out_specs=pl.BlockSpec((QB, K), lambda i: (i, 0)),
        out_shape=jax.ShapeDtypeStruct((B, K), _I32),
        compiler_params=pltpu.CompilerParams(
            dimension_semantics=("parallel",)),
    )(pool, gids)


def _ctx_gather(cand_emb, idx_flat):
    return _sc_row_gather(cand_emb, idx_flat, NPAD)


def _mlp_body(ctx_ref, a0_ref, w0b, w1, b1, wo, bo, out_ref):
    ctx = ctx_ref[...]
    a0 = a0_ref[...]
    rr = lax.broadcasted_iota(_I32, (ctx.shape[0], a0.shape[0]), 0) // K
    jj = lax.broadcasted_iota(_I32, (ctx.shape[0], a0.shape[0]), 1)
    rep = jnp.where(rr == jj, 1.0, 0.0).astype(_F32)
    aexp = lax.dot_general(rep, a0, (((1,), (0,)), ((), ())),
                           precision=lax.Precision.HIGHEST,
                           preferred_element_type=_F32)
    h1 = jnp.maximum(aexp + _dott(ctx, w0b[...]), 0.0)
    h2 = jnp.maximum(_dott(h1, w1[...]) + b1[...], 0.0)
    out_ref[...] = jnp.sum(h2 * wo[...], axis=1, keepdims=True) + bo[0]


def _mlp(ctx, a0, w0b, w1, b1, wo, bo):
    RB = 512
    w = lambda s: pl.BlockSpec(s, lambda i: (0,) * len(s))
    return pl.pallas_call(
        _mlp_body,
        grid=(B * K // RB,),
        in_specs=[pl.BlockSpec((RB, D), lambda i: (i, 0)),
                  pl.BlockSpec((RB // K, 2 * D), lambda i: (i, 0)),
                  w((2 * D, D)), w((2 * D, 2 * D)), w((1, 2 * D)),
                  w((1, 2 * D)),
                  pl.BlockSpec(memory_space=pltpu.SMEM)],
        out_specs=pl.BlockSpec((RB, 1), lambda i: (i, 0)),
        out_shape=jax.ShapeDtypeStruct((B * K, 1), _F32),
        compiler_params=pltpu.CompilerParams(
            dimension_semantics=("parallel",)),
    )(ctx, a0, w0b, w1, b1, wo, bo)


def kernel(x, candidate_x, W_embed, b_embed, bn1_g, bn1_b, W_mb1, b_mb1,
           W_mb2, b_mb2, bn2_g, bn2_b, W_mlp0, b_mlp0, W_mlp1, b_mlp1,
           W_out, b_out, is_train):
    del is_train
    row = lambda v: v.reshape(1, -1)
    be, g1, b1 = row(b_embed), row(bn1_g), row(bn1_b)
    bm1, bm2 = row(b_mb1), row(b_mb2)
    g2, b2 = row(bn2_g), row(bn2_b)
    w0a, w0b = W_mlp0[:, :D], W_mlp0[:, D:]
    b0, b1m, bo = row(b_mlp0), row(b_mlp1), b_out

    xe, qn, a0 = _xside(x, W_embed, be, g1, b1, W_mb1, bm1, W_mb2, bm2,
                        g2, b2, w0a, b0)
    cx_pad = jnp.pad(candidate_x, ((0, NPAD - N), (0, 0)))
    ce, cn = _cand_embed(cx_pad, W_embed, be, g1, b1, W_mb1, bm1, W_mb2, bm2,
                         g2, b2)
    d2, gm = _dist(xe, qn, ce, cn.reshape(1, NPAD))
    gidt, pgt = _gtopk(gm)
    gids, pgidx = gidt.T, pgt.T
    pool = _pool_gather(d2.reshape(B * NSG, SG), pgidx.reshape(-1))
    idx = _ptopk(pool.reshape(B, POOL), gids)
    ctx = _ctx_gather(ce, idx.reshape(-1))
    out = _mlp(ctx, a0, w0b, W_mlp1, b1m, W_out, bo)
    return out.reshape(B, K, 1)

# --- scband reference (transcript-rebuilt; emitter-appended) ---
"""Pipeline reference for scband-tab-rm-53721450939148 (READ-ONLY COPY).

The authoritative reference and input builder live on the scoring server;
editing this copy changes nothing except your own understanding.
"""

import jax, jax.numpy as jnp
import numpy as np

B = 1024
N = 100000
D_IN = 128
D_BLOCK = 128
D_OUT = 1
K = 32
EPS = 1e-5


def _lin(key, d_in, d_out):
    k1, k2 = jax.random.split(key)
    lim = d_in ** -0.5
    W = jax.random.uniform(k1, (d_out, d_in), minval=-lim, maxval=lim, dtype=jnp.float32)
    b = jax.random.uniform(k2, (d_out,), minval=-lim, maxval=lim, dtype=jnp.float32)
    return W, b


def setup_inputs(seed: int = 0) -> dict:
    key = jax.random.key(seed)
    ks = jax.random.split(key, 8)
    x = jax.random.normal(ks[0], (B, D_IN), dtype=jnp.float32)
    candidate_x = jax.random.normal(ks[1], (N, D_IN), dtype=jnp.float32)
    W_embed, b_embed = _lin(ks[2], D_IN, D_BLOCK)
    W_mb1, b_mb1 = _lin(ks[3], D_BLOCK, D_BLOCK)
    W_mb2, b_mb2 = _lin(ks[4], D_BLOCK, D_BLOCK)
    W_mlp0, b_mlp0 = _lin(ks[5], 2 * D_BLOCK, 2 * D_BLOCK)
    W_mlp1, b_mlp1 = _lin(ks[6], 2 * D_BLOCK, 2 * D_BLOCK)
    W_out, b_out = _lin(ks[7], 2 * D_BLOCK, D_OUT)
    bn1_g = jnp.ones((D_BLOCK,), dtype=jnp.float32)
    bn1_b = jnp.zeros((D_BLOCK,), dtype=jnp.float32)
    bn2_g = jnp.ones((D_BLOCK,), dtype=jnp.float32)
    bn2_b = jnp.zeros((D_BLOCK,), dtype=jnp.float32)
    return {
        "x": x, "candidate_x": candidate_x,
        "W_embed": W_embed, "b_embed": b_embed,
        "bn1_g": bn1_g, "bn1_b": bn1_b,
        "W_mb1": W_mb1, "b_mb1": b_mb1,
        "W_mb2": W_mb2, "b_mb2": b_mb2,
        "bn2_g": bn2_g, "bn2_b": bn2_b,
        "W_mlp0": W_mlp0, "b_mlp0": b_mlp0,
        "W_mlp1": W_mlp1, "b_mlp1": b_mlp1,
        "W_out": W_out, "b_out": b_out,
        "is_train": 0,
    }


def _embed(h, W_embed, b_embed, bn1_g, bn1_b, W_mb1, b_mb1, W_mb2, b_mb2, bn2_g, bn2_b):
    # nn.Sequential(Linear(d_in, d_block), MLP_Block(d_block, d_block), BatchNorm1d(d_block))
    h = h @ W_embed.T + b_embed
    # MLP_Block: BN (eval-mode: running_mean=0, running_var=1) -> Linear -> ReLU -> Dropout(0) -> Linear
    inv = 1.0 / jnp.sqrt(1.0 + EPS)
    z = bn1_g * (h * inv) + bn1_b
    z = jax.nn.relu(z @ W_mb1.T + b_mb1)
    h = z @ W_mb2.T + b_mb2
    # final BatchNorm1d (eval-mode)
    h = bn2_g * (h * inv) + bn2_b
    return h


def reference(x, candidate_x, W_embed, b_embed, bn1_g, bn1_b, W_mb1, b_mb1, W_mb2, b_mb2, bn2_g, bn2_b, W_mlp0, b_mlp0, W_mlp1, b_mlp1, W_out, b_out, is_train):
    # retrieve (is_train=False path, memory_efficient=False)
    x_ = _embed(x, W_embed, b_embed, bn1_g, bn1_b, W_mb1, b_mb1, W_mb2, b_mb2, bn2_g, bn2_b)
    cand = _embed(candidate_x, W_embed, b_embed, bn1_g, bn1_b, W_mb1, b_mb1, W_mb2, b_mb2, bn2_g, bn2_b)
    # faiss IndexFlatL2 exact search: squared L2 distances, top-k smallest
    d2 = jnp.sum(x_ * x_, axis=1, keepdims=True) - 2.0 * (x_ @ cand.T) + jnp.sum(cand * cand, axis=1)[None, :]
    _, idx = jax.lax.top_k(jax.lax.stop_gradient(-d2), K)  # [B, K]
    context_x = jnp.take(cand, idx, axis=0)  # [B, K, d_block]
    # forward: expand query, concat, MLP, output head
    xq = jnp.broadcast_to(x_[:, None, :], (x_.shape[0], K, x_.shape[1]))
    h = jnp.concatenate([xq, context_x], axis=-1)  # [B, K, 2*d_block]
    h = jax.nn.relu(h @ W_mlp0.T + b_mlp0)
    h = jax.nn.relu(h @ W_mlp1.T + b_mlp1)
    out = h @ W_out.T + b_out  # [B, K, d_out]
    return out

if __name__ == "__main__":
    import jax
    _d = setup_inputs()
    print(jax.jit(kernel)(*tuple(_d.values())))

</pallas_src>

<mosaic_0001>
#map = affine_map<(d0, d1) -> (0, 0)>
#map1 = affine_map<(d0, d1) -> (0)>
module attributes {stable_mosaic.version = 14 : i64} {
  func.func @k(%arg0: i32, %arg1: i32, %arg2: memref<819200x128xf32, #tpu.memory_space<hbm>>, %arg3: memref<32768xi32, #tpu.memory_space<hbm>>, %arg4: memref<32768x128xf32, #tpu.memory_space<hbm>>, %arg5: memref<1024xi32, #tpu.memory_space<vmem>>, %arg6: memref<256x128xf32, #tpu.memory_space<vmem>>, %arg7: memref<!tpu.dma_semaphore, #tpu.memory_space<semaphore_mem>>) attributes {dimension_semantics = [#tpu.dimension_semantics<core_parallel>, #tpu.dimension_semantics<subcore_parallel>], iteration_bounds = array<i64: 2, 16>, scalar_prefetch = 0 : i64, scratch_operands = 3 : i64, tpu.core_type = #tpu.core_type<sc_vector_subcore>, window_params = [{transform_indices = #map}, {transform_indices = #map1}, {transform_indices = #map}]} {
    %mul3A = arith.constant 2 : i32
    %mul3A_0 = arith.muli %arg1, %mul3A : i32
    %add3A = arith.addi %mul3A_0, %arg0 : i32
    %mul3A_1 = arith.constant 1024 : i32
    %mul3A_2 = arith.muli %add3A, %mul3A_1 : i32
    "tpu.region"() ({
      %run_scoped3A = tpu.sem_alloc : memref<!tpu.dma_semaphore, #tpu.memory_space<semaphore_mem>>
      %dma_start3A_137 = tpu.memref_slice %arg3[%mul3A_2] : memref<32768xi32, #tpu.memory_space<hbm>> -> memref<1024xi32, #tpu.memory_space<hbm>>
      %dma_start3A_138 = tpu.memref_slice %arg3[%mul3A_2] : memref<32768xi32, #tpu.memory_space<hbm>> -> memref<1024xi32, #tpu.memory_space<hbm>>
      tpu.enqueue_dma source(%dma_start3A_138 : memref<1024xi32, #tpu.memory_space<hbm>>) target(%arg5 : memref<1024xi32, #tpu.memory_space<vmem>>) target_semaphore(%run_scoped3A : memref<!tpu.dma_semaphore, #tpu.memory_space<semaphore_mem>>)
      %dma_wait3A_139 = tpu.memref_slice %arg3[%mul3A_2] : memref<32768xi32, #tpu.memory_space<hbm>> -> memref<1024xi32, #tpu.memory_space<hbm>>
      %dma_wait3A_140 = tpu.memref_slice %arg3[%mul3A_2] : memref<32768xi32, #tpu.memory_space<hbm>> -> memref<1024xi32, #tpu.memory_space<hbm>>
      tpu.wait_dma2 semaphore(%run_scoped3A : memref<!tpu.dma_semaphore, #tpu.memory_space<semaphore_mem>>) src(%dma_wait3A_140 : memref<1024xi32, #tpu.memory_space<hbm>>) dst(%arg5 : memref<1024xi32, #tpu.memory_space<vmem>>)
      tpu.yield
    }) : () -> ()
    %dma_start3A = arith.constant 0 : i32
    %dma_start3A_3 = arith.constant 0 : i32
    %dma_start3A_4 = tpu.memref_slice %arg6[%dma_start3A, %dma_start3A_3] : memref<256x128xf32, #tpu.memory_space<vmem>> -> memref<128x128xf32, #tpu.memory_space<vmem>>
    %dma_start3A_5 = arith.constant 0 : i32
    %dma_start3A_6 = tpu.memref_slice %arg5[%dma_start3A_5] : memref<1024xi32, #tpu.memory_space<vmem>> -> memref<128xi32, #tpu.memory_space<vmem>>
    %dma_start3A_7 = arith.constant 0 : i32
    %dma_start3A_8 = arith.constant 0 : i32
    %dma_start3A_9 = tpu.memref_slice %arg2[%dma_start3A_7, %dma_start3A_8] : memref<819200x128xf32, #tpu.memory_space<hbm>> -> memref<819200x128xf32, #tpu.memory_space<hbm>>
    tpu.enqueue_indirect_dma source(%dma_start3A_9 : memref<819200x128xf32, #tpu.memory_space<hbm>>) target(%dma_start3A_4 : memref<128x128xf32, #tpu.memory_space<vmem>>) offsets(%dma_start3A_6 : memref<128xi32, #tpu.memory_space<vmem>>) semaphore(%arg7 : memref<!tpu.dma_semaphore, #tpu.memory_space<semaphore_mem>>)
    %dma_start3A_10 = arith.constant 128 : i32
    %dma_start3A_11 = arith.constant 0 : i32
    %dma_start3A_12 = tpu.memref_slice %arg6[%dma_start3A_10, %dma_start3A_11] : memref<256x128xf32, #tpu.memory_space<vmem>> -> memref<128x128xf32, #tpu.memory_space<vmem>>
    %dma_start3A_13 = arith.constant 128 : i32
    %dma_start3A_14 = tpu.memref_slice %arg5[%dma_start3A_13] : memref<1024xi32, #tpu.memory_space<vmem>> -> memref<128xi32, #tpu.memory_space<vmem>>
    %dma_start3A_15 = arith.constant 0 : i32
    %dma_start3A_16 = arith.constant 0 : i32
    %dma_start3A_17 = tpu.memref_slice %arg2[%dma_start3A_15, %dma_start3A_16] : memref<819200x128xf32, #tpu.memory_space<hbm>> -> memref<819200x128xf32, #tpu.memory_space<hbm>>
    tpu.enqueue_indirect_dma source(%dma_start3A_17 : memref<819200x128xf32, #tpu.memory_space<hbm>>) target(%dma_start3A_12 : memref<128x128xf32, #tpu.memory_space<vmem>>) offsets(%dma_start3A_14 : memref<128xi32, #tpu.memory_space<vmem>>) semaphore(%arg7 : memref<!tpu.dma_semaphore, #tpu.memory_space<semaphore_mem>>)
    %dma_wait3A = arith.constant 0 : i32
    %dma_wait3A_18 = arith.constant 0 : i32
    %dma_wait3A_19 = tpu.memref_slice %arg6[%dma_wait3A, %dma_wait3A_18] : memref<256x128xf32, #tpu.memory_space<vmem>> -> memref<128x128xf32, #tpu.memory_space<vmem>>
    %dma_wait3A_20 = arith.constant 0 : i32
    %dma_wait3A_21 = tpu.memref_slice %arg5[%dma_wait3A_20] : memref<1024xi32, #tpu.memory_space<vmem>> -> memref<128xi32, #tpu.memory_space<vmem>>
    %dma_wait3A_22 = arith.constant 0 : i32
    %dma_wait3A_23 = arith.constant 0 : i32
    %dma_wait3A_24 = tpu.memref_slice %arg2[%dma_wait3A_22, %dma_wait3A_23] : memref<819200x128xf32, #tpu.memory_space<hbm>> -> memref<819200x128xf32, #tpu.memory_space<hbm>>
    tpu.wait_indirect_dma semaphore(%arg7 : memref<!tpu.dma_semaphore, #tpu.memory_space<semaphore_mem>>) src(%dma_wait3A_24 : memref<819200x128xf32, #tpu.memory_space<hbm>>) dst(%dma_wait3A_19 : memref<128x128xf32, #tpu.memory_space<vmem>>)
    %dma_wait3A_25 = arith.constant 128 : i32
    %dma_wait3A_26 = arith.constant 0 : i32
    %dma_wait3A_27 = tpu.memref_slice %arg6[%dma_wait3A_25, %dma_wait3A_26] : memref<256x128xf32, #tpu.memory_space<vmem>> -> memref<128x128xf32, #tpu.memory_space<vmem>>
    %dma_wait3A_28 = arith.constant 128 : i32
    %dma_wait3A_29 = tpu.memref_slice %arg5[%dma_wait3A_28] : memref<1024xi32, #tpu.memory_space<vmem>> -> memref<128xi32, #tpu.memory_space<vmem>>
    %dma_wait3A_30 = arith.constant 0 : i32
    %dma_wait3A_31 = arith.constant 0 : i32
    %dma_wait3A_32 = tpu.memref_slice %arg2[%dma_wait3A_30, %dma_wait3A_31] : memref<819200x128xf32, #tpu.memory_space<hbm>> -> memref<819200x128xf32, #tpu.memory_space<hbm>>
    tpu.wait_indirect_dma semaphore(%arg7 : memref<!tpu.dma_semaphore, #tpu.memory_space<semaphore_mem>>) src(%dma_wait3A_32 : memref<819200x128xf32, #tpu.memory_space<hbm>>) dst(%dma_wait3A_27 : memref<128x128xf32, #tpu.memory_space<vmem>>)
    %add3A_33 = arith.constant 0 : i32
    %add3A_34 = arith.addi %mul3A_2, %add3A_33 : i32
    "tpu.region"() ({
      %run_scoped3A = tpu.sem_alloc : memref<!tpu.dma_semaphore, #tpu.memory_space<semaphore_mem>>
      %dma_start3A_137 = arith.constant 0 : i32
      %dma_start3A_138 = tpu.memref_slice %arg4[%add3A_34, %dma_start3A_137] : memref<32768x128xf32, #tpu.memory_space<hbm>> -> memref<256x128xf32, #tpu.memory_space<hbm>>
      %dma_start3A_139 = arith.constant 0 : i32
      %dma_start3A_140 = tpu.memref_slice %arg4[%add3A_34, %dma_start3A_139] : memref<32768x128xf32, #tpu.memory_space<hbm>> -> memref<256x128xf32, #tpu.memory_space<hbm>>
      tpu.enqueue_dma source(%arg6 : memref<256x128xf32, #tpu.memory_space<vmem>>) target(%dma_start3A_140 : memref<256x128xf32, #tpu.memory_space<hbm>>) target_semaphore(%run_scoped3A : memref<!tpu.dma_semaphore, #tpu.memory_space<semaphore_mem>>)
      %dma_wait3A_141 = arith.constant 0 : i32
      %dma_wait3A_142 = tpu.memref_slice %arg4[%add3A_34, %dma_wait3A_141] : memref<32768x128xf32, #tpu.memory_space<hbm>> -> memref<256x128xf32, #tpu.memory_space<hbm>>
      %dma_wait3A_143 = arith.constant 0 : i32
      %dma_wait3A_144 = tpu.memref_slice %arg4[%add3A_34, %dma_wait3A_143] : memref<32768x128xf32, #tpu.memory_space<hbm>> -> memref<256x128xf32, #tpu.memory_space<hbm>>
      tpu.wait_dma2 semaphore(%run_scoped3A : memref<!tpu.dma_semaphore, #tpu.memory_space<semaphore_mem>>) src(%arg6 : memref<256x128xf32, #tpu.memory_space<vmem>>) dst(%dma_wait3A_144 : memref<256x128xf32, #tpu.memory_space<hbm>>)
      tpu.yield
    }) : () -> ()
    %dma_start3A_35 = arith.constant 0 : i32
    %dma_start3A_36 = arith.constant 0 : i32
    %dma_start3A_37 = tpu.memref_slice %arg6[%dma_start3A_35, %dma_start3A_36] : memref<256x128xf32, #tpu.memory_space<vmem>> -> memref<128x128xf32, #tpu.memory_space<vmem>>
    %dma_start3A_38 = arith.constant 256 : i32
    %dma_start3A_39 = tpu.memref_slice %arg5[%dma_start3A_38] : memref<1024xi32, #tpu.memory_space<vmem>> -> memref<128xi32, #tpu.memory_space<vmem>>
    %dma_start3A_40 = arith.constant 0 : i32
    %dma_start3A_41 = arith.constant 0 : i32
    %dma_start3A_42 = tpu.memref_slice %arg2[%dma_start3A_40, %dma_start3A_41] : memref<819200x128xf32, #tpu.memory_space<hbm>> -> memref<819200x128xf32, #tpu.memory_space<hbm>>
    tpu.enqueue_indirect_dma source(%dma_start3A_42 : memref<819200x128xf32, #tpu.memory_space<hbm>>) target(%dma_start3A_37 : memref<128x128xf32, #tpu.memory_space<vmem>>) offsets(%dma_start3A_39 : memref<128xi32, #tpu.memory_space<vmem>>) semaphore(%arg7 : memref<!tpu.dma_semaphore, #tpu.memory_space<semaphore_mem>>)
    %dma_start3A_43 = arith.constant 128 : i32
    %dma_start3A_44 = arith.constant 0 : i32
    %dma_start3A_45 = tpu.memref_slice %arg6[%dma_start3A_43, %dma_start3A_44] : memref<256x128xf32, #tpu.memory_space<vmem>> -> memref<128x128xf32, #tpu.memory_space<vmem>>
    %dma_start3A_46 = arith.constant 384 : i32
    %dma_start3A_47 = tpu.memref_slice %arg5[%dma_start3A_46] : memref<1024xi32, #tpu.memory_space<vmem>> -> memref<128xi32, #tpu.memory_space<vmem>>
    %dma_start3A_48 = arith.constant 0 : i32
    %dma_start3A_49 = arith.constant 0 : i32
    %dma_start3A_50 = tpu.memref_slice %arg2[%dma_start3A_48, %dma_start3A_49] : memref<819200x128xf32, #tpu.memory_space<hbm>> -> memref<819200x128xf32, #tpu.memory_space<hbm>>
    tpu.enqueue_indirect_dma source(%dma_start3A_50 : memref<819200x128xf32, #tpu.memory_space<hbm>>) target(%dma_start3A_45 : memref<128x128xf32, #tpu.memory_space<vmem>>) offsets(%dma_start3A_47 : memref<128xi32, #tpu.memory_space<vmem>>) semaphore(%arg7 : memref<!tpu.dma_semaphore, #tpu.memory_space<semaphore_mem>>)
    %dma_wait3A_51 = arith.constant 0 : i32
    %dma_wait3A_52 = arith.constant 0 : i32
    %dma_wait3A_53 = tpu.memref_slice %arg6[%dma_wait3A_51, %dma_wait3A_52] : memref<256x128xf32, #tpu.memory_space<vmem>> -> memref<128x128xf32, #tpu.memory_space<vmem>>
    %dma_wait3A_54 = arith.constant 256 : i32
    %dma_wait3A_55 = tpu.memref_slice %arg5[%dma_wait3A_54] : memref<1024xi32, #tpu.memory_space<vmem>> -> memref<128xi32, #tpu.memory_space<vmem>>
    %dma_wait3A_56 = arith.constant 0 : i32
    %dma_wait3A_57 = arith.constant 0 : i32
    %dma_wait3A_58 = tpu.memref_slice %arg2[%dma_wait3A_56, %dma_wait3A_57] : memref<819200x128xf32, #tpu.memory_space<hbm>> -> memref<819200x128xf32, #tpu.memory_space<hbm>>
    tpu.wait_indirect_dma semaphore(%arg7 : memref<!tpu.dma_semaphore, #tpu.memory_space<semaphore_mem>>) src(%dma_wait3A_58 : memref<819200x128xf32, #tpu.memory_space<hbm>>) dst(%dma_wait3A_53 : memref<128x128xf32, #tpu.memory_space<vmem>>)
    %dma_wait3A_59 = arith.constant 128 : i32
    %dma_wait3A_60 = arith.constant 0 : i32
    %dma_wait3A_61 = tpu.memref_slice %arg6[%dma_wait3A_59, %dma_wait3A_60] : memref<256x128xf32, #tpu.memory_space<vmem>> -> memref<128x128xf32, #tpu.memory_space<vmem>>
    %dma_wait3A_62 = arith.constant 384 : i32
    %dma_wait3A_63 = tpu.memref_slice %arg5[%dma_wait3A_62] : memref<1024xi32, #tpu.memory_space<vmem>> -> memref<128xi32, #tpu.memory_space<vmem>>
    %dma_wait3A_64 = arith.constant 0 : i32
    %dma_wait3A_65 = arith.constant 0 : i32
    %dma_wait3A_66 = tpu.memref_slice %arg2[%dma_wait3A_64, %dma_wait3A_65] : memref<819200x128xf32, #tpu.memory_space<hbm>> -> memref<819200x128xf32, #tpu.memory_space<hbm>>
    tpu.wait_indirect_dma semaphore(%arg7 : memref<!tpu.dma_semaphore, #tpu.memory_space<semaphore_mem>>) src(%dma_wait3A_66 : memref<819200x128xf32, #tpu.memory_space<hbm>>) dst(%dma_wait3A_61 : memref<128x128xf32, #tpu.memory_space<vmem>>)
    %add3A_67 = arith.constant 256 : i32
    %add3A_68 = arith.addi %mul3A_2, %add3A_67 : i32
    "tpu.region"() ({
      %run_scoped3A = tpu.sem_alloc : memref<!tpu.dma_semaphore, #tpu.memory_space<semaphore_mem>>
      %dma_start3A_137 = arith.constant 0 : i32
      %dma_start3A_138 = tpu.memref_slice %arg4[%add3A_68, %dma_start3A_137] : memref<32768x128xf32, #tpu.memory_space<hbm>> -> memref<256x128xf32, #tpu.memory_space<hbm>>
      %dma_start3A_139 = arith.constant 0 : i32
      %dma_start3A_140 = tpu.memref_slice %arg4[%add3A_68, %dma_start3A_139] : memref<32768x128xf32, #tpu.memory_space<hbm>> -> memref<256x128xf32, #tpu.memory_space<hbm>>
      tpu.enqueue_dma source(%arg6 : memref<256x128xf32, #tpu.memory_space<vmem>>) target(%dma_start3A_140 : memref<256x128xf32, #tpu.memory_space<hbm>>) target_semaphore(%run_scoped3A : memref<!tpu.dma_semaphore, #tpu.memory_space<semaphore_mem>>)
      %dma_wait3A_141 = arith.constant 0 : i32
      %dma_wait3A_142 = tpu.memref_slice %arg4[%add3A_68, %dma_wait3A_141] : memref<32768x128xf32, #tpu.memory_space<hbm>> -> memref<256x128xf32, #tpu.memory_space<hbm>>
      %dma_wait3A_143 = arith.constant 0 : i32
      %dma_wait3A_144 = tpu.memref_slice %arg4[%add3A_68, %dma_wait3A_143] : memref<32768x128xf32, #tpu.memory_space<hbm>> -> memref<256x128xf32, #tpu.memory_space<hbm>>
      tpu.wait_dma2 semaphore(%run_scoped3A : memref<!tpu.dma_semaphore, #tpu.memory_space<semaphore_mem>>) src(%arg6 : memref<256x128xf32, #tpu.memory_space<vmem>>) dst(%dma_wait3A_144 : memref<256x128xf32, #tpu.memory_space<hbm>>)
      tpu.yield
    }) : () -> ()
    %dma_start3A_69 = arith.constant 0 : i32
    %dma_start3A_70 = arith.constant 0 : i32
    %dma_start3A_71 = tpu.memref_slice %arg6[%dma_start3A_69, %dma_start3A_70] : memref<256x128xf32, #tpu.memory_space<vmem>> -> memref<128x128xf32, #tpu.memory_space<vmem>>
    %dma_start3A_72 = arith.constant 512 : i32
    %dma_start3A_73 = tpu.memref_slice %arg5[%dma_start3A_72] : memref<1024xi32, #tpu.memory_space<vmem>> -> memref<128xi32, #tpu.memory_space<vmem>>
    %dma_start3A_74 = arith.constant 0 : i32
    %dma_start3A_75 = arith.constant 0 : i32
    %dma_start3A_76 = tpu.memref_slice %arg2[%dma_start3A_74, %dma_start3A_75] : memref<819200x128xf32, #tpu.memory_space<hbm>> -> memref<819200x128xf32, #tpu.memory_space<hbm>>
    tpu.enqueue_indirect_dma source(%dma_start3A_76 : memref<819200x128xf32, #tpu.memory_space<hbm>>) target(%dma_start3A_71 : memref<128x128xf32, #tpu.memory_space<vmem>>) offsets(%dma_start3A_73 : memref<128xi32, #tpu.memory_space<vmem>>) semaphore(%arg7 : memref<!tpu.dma_semaphore, #tpu.memory_space<semaphore_mem>>)
    %dma_start3A_77 = arith.constant 128 : i32
    %dma_start3A_78 = arith.constant 0 : i32
    %dma_start3A_79 = tpu.memref_slice %arg6[%dma_start3A_77, %dma_start3A_78] : memref<256x128xf32, #tpu.memory_space<vmem>> -> memref<128x128xf32, #tpu.memory_space<vmem>>
    %dma_start3A_80 = arith.constant 640 : i32
    %dma_start3A_81 = tpu.memref_slice %arg5[%dma_start3A_80] : memref<1024xi32, #tpu.memory_space<vmem>> -> memref<128xi32, #tpu.memory_space<vmem>>
    %dma_start3A_82 = arith.constant 0 : i32
    %dma_start3A_83 = arith.constant 0 : i32
    %dma_start3A_84 = tpu.memref_slice %arg2[%dma_start3A_82, %dma_start3A_83] : memref<819200x128xf32, #tpu.memory_space<hbm>> -> memref<819200x128xf32, #tpu.memory_space<hbm>>
    tpu.enqueue_indirect_dma source(%dma_start3A_84 : memref<819200x128xf32, #tpu.memory_space<hbm>>) target(%dma_start3A_79 : memref<128x128xf32, #tpu.memory_space<vmem>>) offsets(%dma_start3A_81 : memref<128xi32, #tpu.memory_space<vmem>>) semaphore(%arg7 : memref<!tpu.dma_semaphore, #tpu.memory_space<semaphore_mem>>)
    %dma_wait3A_85 = arith.constant 0 : i32
    %dma_wait3A_86 = arith.constant 0 : i32
    %dma_wait3A_87 = tpu.memref_slice %arg6[%dma_wait3A_85, %dma_wait3A_86] : memref<256x128xf32, #tpu.memory_space<vmem>> -> memref<128x128xf32, #tpu.memory_space<vmem>>
    %dma_wait3A_88 = arith.constant 512 : i32
    %dma_wait3A_89 = tpu.memref_slice %arg5[%dma_wait3A_88] : memref<1024xi32, #tpu.memory_space<vmem>> -> memref<128xi32, #tpu.memory_space<vmem>>
    %dma_wait3A_90 = arith.constant 0 : i32
    %dma_wait3A_91 = arith.constant 0 : i32
    %dma_wait3A_92 = tpu.memref_slice %arg2[%dma_wait3A_90, %dma_wait3A_91] : memref<819200x128xf32, #tpu.memory_space<hbm>> -> memref<819200x128xf32, #tpu.memory_space<hbm>>
    tpu.wait_indirect_dma semaphore(%arg7 : memref<!tpu.dma_semaphore, #tpu.memory_space<semaphore_mem>>) src(%dma_wait3A_92 : memref<819200x128xf32, #tpu.memory_space<hbm>>) dst(%dma_wait3A_87 : memref<128x128xf32, #tpu.memory_space<vmem>>)
    %dma_wait3A_93 = arith.constant 128 : i32
    %dma_wait3A_94 = arith.constant 0 : i32
    %dma_wait3A_95 = tpu.memref_slice %arg6[%dma_wait3A_93, %dma_wait3A_94] : memref<256x128xf32, #tpu.memory_space<vmem>> -> memref<128x128xf32, #tpu.memory_space<vmem>>
    %dma_wait3A_96 = arith.constant 640 : i32
    %dma_wait3A_97 = tpu.memref_slice %arg5[%dma_wait3A_96] : memref<1024xi32, #tpu.memory_space<vmem>> -> memref<128xi32, #tpu.memory_space<vmem>>
    %dma_wait3A_98 = arith.constant 0 : i32
    %dma_wait3A_99 = arith.constant 0 : i32
    %dma_wait3A_100 = tpu.memref_slice %arg2[%dma_wait3A_98, %dma_wait3A_99] : memref<819200x128xf32, #tpu.memory_space<hbm>> -> memref<819200x128xf32, #tpu.memory_space<hbm>>
    tpu.wait_indirect_dma semaphore(%arg7 : memref<!tpu.dma_semaphore, #tpu.memory_space<semaphore_mem>>) src(%dma_wait3A_100 : memref<819200x128xf32, #tpu.memory_space<hbm>>) dst(%dma_wait3A_95 : memref<128x128xf32, #tpu.memory_space<vmem>>)
    %add3A_101 = arith.constant 512 : i32
    %add3A_102 = arith.addi %mul3A_2, %add3A_101 : i32
    "tpu.region"() ({
      %run_scoped3A = tpu.sem_alloc : memref<!tpu.dma_semaphore, #tpu.memory_space<semaphore_mem>>
      %dma_start3A_137 = arith.constant 0 : i32
      %dma_start3A_138 = tpu.memref_slice %arg4[%add3A_102, %dma_start3A_137] : memref<32768x128xf32, #tpu.memory_space<hbm>> -> memref<256x128xf32, #tpu.memory_space<hbm>>
      %dma_start3A_139 = arith.constant 0 : i32
      %dma_start3A_140 = tpu.memref_slice %arg4[%add3A_102, %dma_start3A_139] : memref<32768x128xf32, #tpu.memory_space<hbm>> -> memref<256x128xf32, #tpu.memory_space<hbm>>
      tpu.enqueue_dma source(%arg6 : memref<256x128xf32, #tpu.memory_space<vmem>>) target(%dma_start3A_140 : memref<256x128xf32, #tpu.memory_space<hbm>>) target_semaphore(%run_scoped3A : memref<!tpu.dma_semaphore, #tpu.memory_space<semaphore_mem>>)
      %dma_wait3A_141 = arith.constant 0 : i32
      %dma_wait3A_142 = tpu.memref_slice %arg4[%add3A_102, %dma_wait3A_141] : memref<32768x128xf32, #tpu.memory_space<hbm>> -> memref<256x128xf32, #tpu.memory_space<hbm>>
      %dma_wait3A_143 = arith.constant 0 : i32
      %dma_wait3A_144 = tpu.memref_slice %arg4[%add3A_102, %dma_wait3A_143] : memref<32768x128xf32, #tpu.memory_space<hbm>> -> memref<256x128xf32, #tpu.memory_space<hbm>>
      tpu.wait_dma2 semaphore(%run_scoped3A : memref<!tpu.dma_semaphore, #tpu.memory_space<semaphore_mem>>) src(%arg6 : memref<256x128xf32, #tpu.memory_space<vmem>>) dst(%dma_wait3A_144 : memref<256x128xf32, #tpu.memory_space<hbm>>)
      tpu.yield
    }) : () -> ()
    %dma_start3A_103 = arith.constant 0 : i32
    %dma_start3A_104 = arith.constant 0 : i32
    %dma_start3A_105 = tpu.memref_slice %arg6[%dma_start3A_103, %dma_start3A_104] : memref<256x128xf32, #tpu.memory_space<vmem>> -> memref<128x128xf32, #tpu.memory_space<vmem>>
    %dma_start3A_106 = arith.constant 768 : i32
    %dma_start3A_107 = tpu.memref_slice %arg5[%dma_start3A_106] : memref<1024xi32, #tpu.memory_space<vmem>> -> memref<128xi32, #tpu.memory_space<vmem>>
    %dma_start3A_108 = arith.constant 0 : i32
    %dma_start3A_109 = arith.constant 0 : i32
    %dma_start3A_110 = tpu.memref_slice %arg2[%dma_start3A_108, %dma_start3A_109] : memref<819200x128xf32, #tpu.memory_space<hbm>> -> memref<819200x128xf32, #tpu.memory_space<hbm>>
    tpu.enqueue_indirect_dma source(%dma_start3A_110 : memref<819200x128xf32, #tpu.memory_space<hbm>>) target(%dma_start3A_105 : memref<128x128xf32, #tpu.memory_space<vmem>>) offsets(%dma_start3A_107 : memref<128xi32, #tpu.memory_space<vmem>>) semaphore(%arg7 : memref<!tpu.dma_semaphore, #tpu.memory_space<semaphore_mem>>)
    %dma_start3A_111 = arith.constant 128 : i32
    %dma_start3A_112 = arith.constant 0 : i32
    %dma_start3A_113 = tpu.memref_slice %arg6[%dma_start3A_111, %dma_start3A_112] : memref<256x128xf32, #tpu.memory_space<vmem>> -> memref<128x128xf32, #tpu.memory_space<vmem>>
    %dma_start3A_114 = arith.constant 896 : i32
    %dma_start3A_115 = tpu.memref_slice %arg5[%dma_start3A_114] : memref<1024xi32, #tpu.memory_space<vmem>> -> memref<128xi32, #tpu.memory_space<vmem>>
    %dma_start3A_116 = arith.constant 0 : i32
    %dma_start3A_117 = arith.constant 0 : i32
    %dma_start3A_118 = tpu.memref_slice %arg2[%dma_start3A_116, %dma_start3A_117] : memref<819200x128xf32, #tpu.memory_space<hbm>> -> memref<819200x128xf32, #tpu.memory_space<hbm>>
    tpu.enqueue_indirect_dma source(%dma_start3A_118 : memref<819200x128xf32, #tpu.memory_space<hbm>>) target(%dma_start3A_113 : memref<128x128xf32, #tpu.memory_space<vmem>>) offsets(%dma_start3A_115 : memref<128xi32, #tpu.memory_space<vmem>>) semaphore(%arg7 : memref<!tpu.dma_semaphore, #tpu.memory_space<semaphore_mem>>)
    %dma_wait3A_119 = arith.constant 0 : i32
    %dma_wait3A_120 = arith.constant 0 : i32
    %dma_wait3A_121 = tpu.memref_slice %arg6[%dma_wait3A_119, %dma_wait3A_120] : memref<256x128xf32, #tpu.memory_space<vmem>> -> memref<128x128xf32, #tpu.memory_space<vmem>>
    %dma_wait3A_122 = arith.constant 768 : i32
    %dma_wait3A_123 = tpu.memref_slice %arg5[%dma_wait3A_122] : memref<1024xi32, #tpu.memory_space<vmem>> -> memref<128xi32, #tpu.memory_space<vmem>>
    %dma_wait3A_124 = arith.constant 0 : i32
    %dma_wait3A_125 = arith.constant 0 : i32
    %dma_wait3A_126 = tpu.memref_slice %arg2[%dma_wait3A_124, %dma_wait3A_125] : memref<819200x128xf32, #tpu.memory_space<hbm>> -> memref<819200x128xf32, #tpu.memory_space<hbm>>
    tpu.wait_indirect_dma semaphore(%arg7 : memref<!tpu.dma_semaphore, #tpu.memory_space<semaphore_mem>>) src(%dma_wait3A_126 : memref<819200x128xf32, #tpu.memory_space<hbm>>) dst(%dma_wait3A_121 : memref<128x128xf32, #tpu.memory_space<vmem>>)
    %dma_wait3A_127 = arith.constant 128 : i32
    %dma_wait3A_128 = arith.constant 0 : i32
    %dma_wait3A_129 = tpu.memref_slice %arg6[%dma_wait3A_127, %dma_wait3A_128] : memref<256x128xf32, #tpu.memory_space<vmem>> -> memref<128x128xf32, #tpu.memory_space<vmem>>
    %dma_wait3A_130 = arith.constant 896 : i32
    %dma_wait3A_131 = tpu.memref_slice %arg5[%dma_wait3A_130] : memref<1024xi32, #tpu.memory_space<vmem>> -> memref<128xi32, #tpu.memory_space<vmem>>
    %dma_wait3A_132 = arith.constant 0 : i32
    %dma_wait3A_133 = arith.constant 0 : i32
    %dma_wait3A_134 = tpu.memref_slice %arg2[%dma_wait3A_132, %dma_wait3A_133] : memref<819200x128xf32, #tpu.memory_space<hbm>> -> memref<819200x128xf32, #tpu.memory_space<hbm>>
    tpu.wait_indirect_dma semaphore(%arg7 : memref<!tpu.dma_semaphore, #tpu.memory_space<semaphore_mem>>) src(%dma_wait3A_134 : memref<819200x128xf32, #tpu.memory_space<hbm>>) dst(%dma_wait3A_129 : memref<128x128xf32, #tpu.memory_space<vmem>>)
    %add3A_135 = arith.constant 768 : i32
    %add3A_136 = arith.addi %mul3A_2, %add3A_135 : i32
    "tpu.region"() ({
      %run_scoped3A = tpu.sem_alloc : memref<!tpu.dma_semaphore, #tpu.memory_space<semaphore_mem>>
      %dma_start3A_137 = arith.constant 0 : i32
      %dma_start3A_138 = tpu.memref_slice %arg4[%add3A_136, %dma_start3A_137] : memref<32768x128xf32, #tpu.memory_space<hbm>> -> memref<256x128xf32, #tpu.memory_space<hbm>>
      %dma_start3A_139 = arith.constant 0 : i32
      %dma_start3A_140 = tpu.memref_slice %arg4[%add3A_136, %dma_start3A_139] : memref<32768x128xf32, #tpu.memory_space<hbm>> -> memref<256x128xf32, #tpu.memory_space<hbm>>
      tpu.enqueue_dma source(%arg6 : memref<256x128xf32, #tpu.memory_space<vmem>>) target(%dma_start3A_140 : memref<256x128xf32, #tpu.memory_space<hbm>>) target_semaphore(%run_scoped3A : memref<!tpu.dma_semaphore, #tpu.memory_space<semaphore_mem>>)
      %dma_wait3A_141 = arith.constant 0 : i32
      %dma_wait3A_142 = tpu.memref_slice %arg4[%add3A_136, %dma_wait3A_141] : memref<32768x128xf32, #tpu.memory_space<hbm>> -> memref<256x128xf32, #tpu.memory_space<hbm>>
      %dma_wait3A_143 = arith.constant 0 : i32
      %dma_wait3A_144 = tpu.memref_slice %arg4[%add3A_136, %dma_wait3A_143] : memref<32768x128xf32, #tpu.memory_space<hbm>> -> memref<256x128xf32, #tpu.memory_space<hbm>>
      tpu.wait_dma2 semaphore(%run_scoped3A : memref<!tpu.dma_semaphore, #tpu.memory_space<semaphore_mem>>) src(%arg6 : memref<256x128xf32, #tpu.memory_space<vmem>>) dst(%dma_wait3A_144 : memref<256x128xf32, #tpu.memory_space<hbm>>)
      tpu.yield
    }) : () -> ()
    return
  }
}

#map = affine_map<(d0, d1) -> (0, 0)>
#map1 = affine_map<(d0, d1) -> (0)>
module attributes {stable_mosaic.version = 14 : i64} {
  func.func @k(%arg0: i32, %arg1: i32, %arg2: memref<102400x128xf32, #tpu.memory_space<hbm>>, %arg3: memref<32768xi32, #tpu.memory_space<hbm>>, %arg4: memref<32768x128xf32, #tpu.memory_space<hbm>>, %arg5: memref<1024xi32, #tpu.memory_space<vmem>>, %arg6: memref<256x128xf32, #tpu.memory_space<vmem>>, %arg7: memref<!tpu.dma_semaphore, #tpu.memory_space<semaphore_mem>>) attributes {dimension_semantics = [#tpu.dimension_semantics<core_parallel>, #tpu.dimension_semantics<subcore_parallel>], iteration_bounds = array<i64: 2, 16>, scalar_prefetch = 0 : i64, scratch_operands = 3 : i64, tpu.core_type = #tpu.core_type<sc_vector_subcore>, window_params = [{transform_indices = #map}, {transform_indices = #map1}, {transform_indices = #map}]} {
    %mul3A = arith.constant 2 : i32
    %mul3A_0 = arith.muli %arg1, %mul3A : i32
    %add3A = arith.addi %mul3A_0, %arg0 : i32
    %mul3A_1 = arith.constant 1024 : i32
    %mul3A_2 = arith.muli %add3A, %mul3A_1 : i32
    "tpu.region"() ({
      %run_scoped3A = tpu.sem_alloc : memref<!tpu.dma_semaphore, #tpu.memory_space<semaphore_mem>>
      %dma_start3A_137 = tpu.memref_slice %arg3[%mul3A_2] : memref<32768xi32, #tpu.memory_space<hbm>> -> memref<1024xi32, #tpu.memory_space<hbm>>
      %dma_start3A_138 = tpu.memref_slice %arg3[%mul3A_2] : memref<32768xi32, #tpu.memory_space<hbm>> -> memref<1024xi32, #tpu.memory_space<hbm>>
      tpu.enqueue_dma source(%dma_start3A_138 : memref<1024xi32, #tpu.memory_space<hbm>>) target(%arg5 : memref<1024xi32, #tpu.memory_space<vmem>>) target_semaphore(%run_scoped3A : memref<!tpu.dma_semaphore, #tpu.memory_space<semaphore_mem>>)
      %dma_wait3A_139 = tpu.memref_slice %arg3[%mul3A_2] : memref<32768xi32, #tpu.memory_space<hbm>> -> memref<1024xi32, #tpu.memory_space<hbm>>
      %dma_wait3A_140 = tpu.memref_slice %arg3[%mul3A_2] : memref<32768xi32, #tpu.memory_space<hbm>> -> memref<1024xi32, #tpu.memory_space<hbm>>
      tpu.wait_dma2 semaphore(%run_scoped3A : memref<!tpu.dma_semaphore, #tpu.memory_space<semaphore_mem>>) src(%dma_wait3A_140 : memref<1024xi32, #tpu.memory_space<hbm>>) dst(%arg5 : memref<1024xi32, #tpu.memory_space<vmem>>)
      tpu.yield
    }) : () -> ()
    %dma_start3A = arith.constant 0 : i32
    %dma_start3A_3 = arith.constant 0 : i32
    %dma_start3A_4 = tpu.memref_slice %arg6[%dma_start3A, %dma_start3A_3] : memref<256x128xf32, #tpu.memory_space<vmem>> -> memref<128x128xf32, #tpu.memory_space<vmem>>
    %dma_start3A_5 = arith.constant 0 : i32
    %dma_start3A_6 = tpu.memref_slice %arg5[%dma_start3A_5] : memref<1024xi32, #tpu.memory_space<vmem>> -> memref<128xi32, #tpu.memory_space<vmem>>
    %dma_start3A_7 = arith.constant 0 : i32
    %dma_start3A_8 = arith.constant 0 : i32
    %dma_start3A_9 = tpu.memref_slice %arg2[%dma_start3A_7, %dma_start3A_8] : memref<102400x128xf32, #tpu.memory_space<hbm>> -> memref<102400x128xf32, #tpu.memory_space<hbm>>
    tpu.enqueue_indirect_dma source(%dma_start3A_9 : memref<102400x128xf32, #tpu.memory_space<hbm>>) target(%dma_start3A_4 : memref<128x128xf32, #tpu.memory_space<vmem>>) offsets(%dma_start3A_6 : memref<128xi32, #tpu.memory_space<vmem>>) semaphore(%arg7 : memref<!tpu.dma_semaphore, #tpu.memory_space<semaphore_mem>>)
    %dma_start3A_10 = arith.constant 128 : i32
    %dma_start3A_11 = arith.constant 0 : i32
    %dma_start3A_12 = tpu.memref_slice %arg6[%dma_start3A_10, %dma_start3A_11] : memref<256x128xf32, #tpu.memory_space<vmem>> -> memref<128x128xf32, #tpu.memory_space<vmem>>
    %dma_start3A_13 = arith.constant 128 : i32
    %dma_start3A_14 = tpu.memref_slice %arg5[%dma_start3A_13] : memref<1024xi32, #tpu.memory_space<vmem>> -> memref<128xi32, #tpu.memory_space<vmem>>
    %dma_start3A_15 = arith.constant 0 : i32
    %dma_start3A_16 = arith.constant 0 : i32
    %dma_start3A_17 = tpu.memref_slice %arg2[%dma_start3A_15, %dma_start3A_16] : memref<102400x128xf32, #tpu.memory_space<hbm>> -> memref<102400x128xf32, #tpu.memory_space<hbm>>
    tpu.enqueue_indirect_dma source(%dma_start3A_17 : memref<102400x128xf32, #tpu.memory_space<hbm>>) target(%dma_start3A_12 : memref<128x128xf32, #tpu.memory_space<vmem>>) offsets(%dma_start3A_14 : memref<128xi32, #tpu.memory_space<vmem>>) semaphore(%arg7 : memref<!tpu.dma_semaphore, #tpu.memory_space<semaphore_mem>>)
    %dma_wait3A = arith.constant 0 : i32
    %dma_wait3A_18 = arith.constant 0 : i32
    %dma_wait3A_19 = tpu.memref_slice %arg6[%dma_wait3A, %dma_wait3A_18] : memref<256x128xf32, #tpu.memory_space<vmem>> -> memref<128x128xf32, #tpu.memory_space<vmem>>
    %dma_wait3A_20 = arith.constant 0 : i32
    %dma_wait3A_21 = tpu.memref_slice %arg5[%dma_wait3A_20] : memref<1024xi32, #tpu.memory_space<vmem>> -> memref<128xi32, #tpu.memory_space<vmem>>
    %dma_wait3A_22 = arith.constant 0 : i32
    %dma_wait3A_23 = arith.constant 0 : i32
    %dma_wait3A_24 = tpu.memref_slice %arg2[%dma_wait3A_22, %dma_wait3A_23] : memref<102400x128xf32, #tpu.memory_space<hbm>> -> memref<102400x128xf32, #tpu.memory_space<hbm>>
    tpu.wait_indirect_dma semaphore(%arg7 : memref<!tpu.dma_semaphore, #tpu.memory_space<semaphore_mem>>) src(%dma_wait3A_24 : memref<102400x128xf32, #tpu.memory_space<hbm>>) dst(%dma_wait3A_19 : memref<128x128xf32, #tpu.memory_space<vmem>>)
    %dma_wait3A_25 = arith.constant 128 : i32
    %dma_wait3A_26 = arith.constant 0 : i32
    %dma_wait3A_27 = tpu.memref_slice %arg6[%dma_wait3A_25, %dma_wait3A_26] : memref<256x128xf32, #tpu.memory_space<vmem>> -> memref<128x128xf32, #tpu.memory_space<vmem>>
    %dma_wait3A_28 = arith.constant 128 : i32
    %dma_wait3A_29 = tpu.memref_slice %arg5[%dma_wait3A_28] : memref<1024xi32, #tpu.memory_space<vmem>> -> memref<128xi32, #tpu.memory_space<vmem>>
    %dma_wait3A_30 = arith.constant 0 : i32
    %dma_wait3A_31 = arith.constant 0 : i32
    %dma_wait3A_32 = tpu.memref_slice %arg2[%dma_wait3A_30, %dma_wait3A_31] : memref<102400x128xf32, #tpu.memory_space<hbm>> -> memref<102400x128xf32, #tpu.memory_space<hbm>>
    tpu.wait_indirect_dma semaphore(%arg7 : memref<!tpu.dma_semaphore, #tpu.memory_space<semaphore_mem>>) src(%dma_wait3A_32 : memref<102400x128xf32, #tpu.memory_space<hbm>>) dst(%dma_wait3A_27 : memref<128x128xf32, #tpu.memory_space<vmem>>)
    %add3A_33 = arith.constant 0 : i32
    %add3A_34 = arith.addi %mul3A_2, %add3A_33 : i32
    "tpu.region"() ({
      %run_scoped3A = tpu.sem_alloc : memref<!tpu.dma_semaphore, #tpu.memory_space<semaphore_mem>>
      %dma_start3A_137 = arith.constant 0 : i32
      %dma_start3A_138 = tpu.memref_slice %arg4[%add3A_34, %dma_start3A_137] : memref<32768x128xf32, #tpu.memory_space<hbm>> -> memref<256x128xf32, #tpu.memory_space<hbm>>
      %dma_start3A_139 = arith.constant 0 : i32
      %dma_start3A_140 = tpu.memref_slice %arg4[%add3A_34, %dma_start3A_139] : memref<32768x128xf32, #tpu.memory_space<hbm>> -> memref<256x128xf32, #tpu.memory_space<hbm>>
      tpu.enqueue_dma source(%arg6 : memref<256x128xf32, #tpu.memory_space<vmem>>) target(%dma_start3A_140 : memref<256x128xf32, #tpu.memory_space<hbm>>) target_semaphore(%run_scoped3A : memref<!tpu.dma_semaphore, #tpu.memory_space<semaphore_mem>>)
      %dma_wait3A_141 = arith.constant 0 : i32
      %dma_wait3A_142 = tpu.memref_slice %arg4[%add3A_34, %dma_wait3A_141] : memref<32768x128xf32, #tpu.memory_space<hbm>> -> memref<256x128xf32, #tpu.memory_space<hbm>>
      %dma_wait3A_143 = arith.constant 0 : i32
      %dma_wait3A_144 = tpu.memref_slice %arg4[%add3A_34, %dma_wait3A_143] : memref<32768x128xf32, #tpu.memory_space<hbm>> -> memref<256x128xf32, #tpu.memory_space<hbm>>
      tpu.wait_dma2 semaphore(%run_scoped3A : memref<!tpu.dma_semaphore, #tpu.memory_space<semaphore_mem>>) src(%arg6 : memref<256x128xf32, #tpu.memory_space<vmem>>) dst(%dma_wait3A_144 : memref<256x128xf32, #tpu.memory_space<hbm>>)
      tpu.yield
    }) : () -> ()
    %dma_start3A_35 = arith.constant 0 : i32
    %dma_start3A_36 = arith.constant 0 : i32
    %dma_start3A_37 = tpu.memref_slice %arg6[%dma_start3A_35, %dma_start3A_36] : memref<256x128xf32, #tpu.memory_space<vmem>> -> memref<128x128xf32, #tpu.memory_space<vmem>>
    %dma_start3A_38 = arith.constant 256 : i32
    %dma_start3A_39 = tpu.memref_slice %arg5[%dma_start3A_38] : memref<1024xi32, #tpu.memory_space<vmem>> -> memref<128xi32, #tpu.memory_space<vmem>>
    %dma_start3A_40 = arith.constant 0 : i32
    %dma_start3A_41 = arith.constant 0 : i32
    %dma_start3A_42 = tpu.memref_slice %arg2[%dma_start3A_40, %dma_start3A_41] : memref<102400x128xf32, #tpu.memory_space<hbm>> -> memref<102400x128xf32, #tpu.memory_space<hbm>>
    tpu.enqueue_indirect_dma source(%dma_start3A_42 : memref<102400x128xf32, #tpu.memory_space<hbm>>) target(%dma_start3A_37 : memref<128x128xf32, #tpu.memory_space<vmem>>) offsets(%dma_start3A_39 : memref<128xi32, #tpu.memory_space<vmem>>) semaphore(%arg7 : memref<!tpu.dma_semaphore, #tpu.memory_space<semaphore_mem>>)
    %dma_start3A_43 = arith.constant 128 : i32
    %dma_start3A_44 = arith.constant 0 : i32
    %dma_start3A_45 = tpu.memref_slice %arg6[%dma_start3A_43, %dma_start3A_44] : memref<256x128xf32, #tpu.memory_space<vmem>> -> memref<128x128xf32, #tpu.memory_space<vmem>>
    %dma_start3A_46 = arith.constant 384 : i32
    %dma_start3A_47 = tpu.memref_slice %arg5[%dma_start3A_46] : memref<1024xi32, #tpu.memory_space<vmem>> -> memref<128xi32, #tpu.memory_space<vmem>>
    %dma_start3A_48 = arith.constant 0 : i32
    %dma_start3A_49 = arith.constant 0 : i32
    %dma_start3A_50 = tpu.memref_slice %arg2[%dma_start3A_48, %dma_start3A_49] : memref<102400x128xf32, #tpu.memory_space<hbm>> -> memref<102400x128xf32, #tpu.memory_space<hbm>>
    tpu.enqueue_indirect_dma source(%dma_start3A_50 : memref<102400x128xf32, #tpu.memory_space<hbm>>) target(%dma_start3A_45 : memref<128x128xf32, #tpu.memory_space<vmem>>) offsets(%dma_start3A_47 : memref<128xi32, #tpu.memory_space<vmem>>) semaphore(%arg7 : memref<!tpu.dma_semaphore, #tpu.memory_space<semaphore_mem>>)
    %dma_wait3A_51 = arith.constant 0 : i32
    %dma_wait3A_52 = arith.constant 0 : i32
    %dma_wait3A_53 = tpu.memref_slice %arg6[%dma_wait3A_51, %dma_wait3A_52] : memref<256x128xf32, #tpu.memory_space<vmem>> -> memref<128x128xf32, #tpu.memory_space<vmem>>
    %dma_wait3A_54 = arith.constant 256 : i32
    %dma_wait3A_55 = tpu.memref_slice %arg5[%dma_wait3A_54] : memref<1024xi32, #tpu.memory_space<vmem>> -> memref<128xi32, #tpu.memory_space<vmem>>
    %dma_wait3A_56 = arith.constant 0 : i32
    %dma_wait3A_57 = arith.constant 0 : i32
    %dma_wait3A_58 = tpu.memref_slice %arg2[%dma_wait3A_56, %dma_wait3A_57] : memref<102400x128xf32, #tpu.memory_space<hbm>> -> memref<102400x128xf32, #tpu.memory_space<hbm>>
    tpu.wait_indirect_dma semaphore(%arg7 : memref<!tpu.dma_semaphore, #tpu.memory_space<semaphore_mem>>) src(%dma_wait3A_58 : memref<102400x128xf32, #tpu.memory_space<hbm>>) dst(%dma_wait3A_53 : memref<128x128xf32, #tpu.memory_space<vmem>>)
    %dma_wait3A_59 = arith.constant 128 : i32
    %dma_wait3A_60 = arith.constant 0 : i32
    %dma_wait3A_61 = tpu.memref_slice %arg6[%dma_wait3A_59, %dma_wait3A_60] : memref<256x128xf32, #tpu.memory_space<vmem>> -> memref<128x128xf32, #tpu.memory_space<vmem>>
    %dma_wait3A_62 = arith.constant 384 : i32
    %dma_wait3A_63 = tpu.memref_slice %arg5[%dma_wait3A_62] : memref<1024xi32, #tpu.memory_space<vmem>> -> memref<128xi32, #tpu.memory_space<vmem>>
    %dma_wait3A_64 = arith.constant 0 : i32
    %dma_wait3A_65 = arith.constant 0 : i32
    %dma_wait3A_66 = tpu.memref_slice %arg2[%dma_wait3A_64, %dma_wait3A_65] : memref<102400x128xf32, #tpu.memory_space<hbm>> -> memref<102400x128xf32, #tpu.memory_space<hbm>>
    tpu.wait_indirect_dma semaphore(%arg7 : memref<!tpu.dma_semaphore, #tpu.memory_space<semaphore_mem>>) src(%dma_wait3A_66 : memref<102400x128xf32, #tpu.memory_space<hbm>>) dst(%dma_wait3A_61 : memref<128x128xf32, #tpu.memory_space<vmem>>)
    %add3A_67 = arith.constant 256 : i32
    %add3A_68 = arith.addi %mul3A_2, %add3A_67 : i32
    "tpu.region"() ({
      %run_scoped3A = tpu.sem_alloc : memref<!tpu.dma_semaphore, #tpu.memory_space<semaphore_mem>>
      %dma_start3A_137 = arith.constant 0 : i32
      %dma_start3A_138 = tpu.memref_slice %arg4[%add3A_68, %dma_start3A_137] : memref<32768x128xf32, #tpu.memory_space<hbm>> -> memref<256x128xf32, #tpu.memory_space<hbm>>
      %dma_start3A_139 = arith.constant 0 : i32
      %dma_start3A_140 = tpu.memref_slice %arg4[%add3A_68, %dma_start3A_139] : memref<32768x128xf32, #tpu.memory_space<hbm>> -> memref<256x128xf32, #tpu.memory_space<hbm>>
      tpu.enqueue_dma source(%arg6 : memref<256x128xf32, #tpu.memory_space<vmem>>) target(%dma_start3A_140 : memref<256x128xf32, #tpu.memory_space<hbm>>) target_semaphore(%run_scoped3A : memref<!tpu.dma_semaphore, #tpu.memory_space<semaphore_mem>>)
      %dma_wait3A_141 = arith.constant 0 : i32
      %dma_wait3A_142 = tpu.memref_slice %arg4[%add3A_68, %dma_wait3A_141] : memref<32768x128xf32, #tpu.memory_space<hbm>> -> memref<256x128xf32, #tpu.memory_space<hbm>>
      %dma_wait3A_143 = arith.constant 0 : i32
      %dma_wait3A_144 = tpu.memref_slice %arg4[%add3A_68, %dma_wait3A_143] : memref<32768x128xf32, #tpu.memory_space<hbm>> -> memref<256x128xf32, #tpu.memory_space<hbm>>
      tpu.wait_dma2 semaphore(%run_scoped3A : memref<!tpu.dma_semaphore, #tpu.memory_space<semaphore_mem>>) src(%arg6 : memref<256x128xf32, #tpu.memory_space<vmem>>) dst(%dma_wait3A_144 : memref<256x128xf32, #tpu.memory_space<hbm>>)
      tpu.yield
    }) : () -> ()
    %dma_start3A_69 = arith.constant 0 : i32
    %dma_start3A_70 = arith.constant 0 : i32
    %dma_start3A_71 = tpu.memref_slice %arg6[%dma_start3A_69, %dma_start3A_70] : memref<256x128xf32, #tpu.memory_space<vmem>> -> memref<128x128xf32, #tpu.memory_space<vmem>>
    %dma_start3A_72 = arith.constant 512 : i32
    %dma_start3A_73 = tpu.memref_slice %arg5[%dma_start3A_72] : memref<1024xi32, #tpu.memory_space<vmem>> -> memref<128xi32, #tpu.memory_space<vmem>>
    %dma_start3A_74 = arith.constant 0 : i32
    %dma_start3A_75 = arith.constant 0 : i32
    %dma_start3A_76 = tpu.memref_slice %arg2[%dma_start3A_74, %dma_start3A_75] : memref<102400x128xf32, #tpu.memory_space<hbm>> -> memref<102400x128xf32, #tpu.memory_space<hbm>>
    tpu.enqueue_indirect_dma source(%dma_start3A_76 : memref<102400x128xf32, #tpu.memory_space<hbm>>) target(%dma_start3A_71 : memref<128x128xf32, #tpu.memory_space<vmem>>) offsets(%dma_start3A_73 : memref<128xi32, #tpu.memory_space<vmem>>) semaphore(%arg7 : memref<!tpu.dma_semaphore, #tpu.memory_space<semaphore_mem>>)
    %dma_start3A_77 = arith.constant 128 : i32
    %dma_start3A_78 = arith.constant 0 : i32
    %dma_start3A_79 = tpu.memref_slice %arg6[%dma_start3A_77, %dma_start3A_78] : memref<256x128xf32, #tpu.memory_space<vmem>> -> memref<128x128xf32, #tpu.memory_space<vmem>>
    %dma_start3A_80 = arith.constant 640 : i32
    %dma_start3A_81 = tpu.memref_slice %arg5[%dma_start3A_80] : memref<1024xi32, #tpu.memory_space<vmem>> -> memref<128xi32, #tpu.memory_space<vmem>>
    %dma_start3A_82 = arith.constant 0 : i32
    %dma_start3A_83 = arith.constant 0 : i32
    %dma_start3A_84 = tpu.memref_slice %arg2[%dma_start3A_82, %dma_start3A_83] : memref<102400x128xf32, #tpu.memory_space<hbm>> -> memref<102400x128xf32, #tpu.memory_space<hbm>>
    tpu.enqueue_indirect_dma source(%dma_start3A_84 : memref<102400x128xf32, #tpu.memory_space<hbm>>) target(%dma_start3A_79 : memref<128x128xf32, #tpu.memory_space<vmem>>) offsets(%dma_start3A_81 : memref<128xi32, #tpu.memory_space<vmem>>) semaphore(%arg7 : memref<!tpu.dma_semaphore, #tpu.memory_space<semaphore_mem>>)
    %dma_wait3A_85 = arith.constant 0 : i32
    %dma_wait3A_86 = arith.constant 0 : i32
    %dma_wait3A_87 = tpu.memref_slice %arg6[%dma_wait3A_85, %dma_wait3A_86] : memref<256x128xf32, #tpu.memory_space<vmem>> -> memref<128x128xf32, #tpu.memory_space<vmem>>
    %dma_wait3A_88 = arith.constant 512 : i32
    %dma_wait3A_89 = tpu.memref_slice %arg5[%dma_wait3A_88] : memref<1024xi32, #tpu.memory_space<vmem>> -> memref<128xi32, #tpu.memory_space<vmem>>
    %dma_wait3A_90 = arith.constant 0 : i32
    %dma_wait3A_91 = arith.constant 0 : i32
    %dma_wait3A_92 = tpu.memref_slice %arg2[%dma_wait3A_90, %dma_wait3A_91] : memref<102400x128xf32, #tpu.memory_space<hbm>> -> memref<102400x128xf32, #tpu.memory_space<hbm>>
    tpu.wait_indirect_dma semaphore(%arg7 : memref<!tpu.dma_semaphore, #tpu.memory_space<semaphore_mem>>) src(%dma_wait3A_92 : memref<102400x128xf32, #tpu.memory_space<hbm>>) dst(%dma_wait3A_87 : memref<128x128xf32, #tpu.memory_space<vmem>>)
    %dma_wait3A_93 = arith.constant 128 : i32
    %dma_wait3A_94 = arith.constant 0 : i32
    %dma_wait3A_95 = tpu.memref_slice %arg6[%dma_wait3A_93, %dma_wait3A_94] : memref<256x128xf32, #tpu.memory_space<vmem>> -> memref<128x128xf32, #tpu.memory_space<vmem>>
    %dma_wait3A_96 = arith.constant 640 : i32
    %dma_wait3A_97 = tpu.memref_slice %arg5[%dma_wait3A_96] : memref<1024xi32, #tpu.memory_space<vmem>> -> memref<128xi32, #tpu.memory_space<vmem>>
    %dma_wait3A_98 = arith.constant 0 : i32
    %dma_wait3A_99 = arith.constant 0 : i32
    %dma_wait3A_100 = tpu.memref_slice %arg2[%dma_wait3A_98, %dma_wait3A_99] : memref<102400x128xf32, #tpu.memory_space<hbm>> -> memref<102400x128xf32, #tpu.memory_space<hbm>>
    tpu.wait_indirect_dma semaphore(%arg7 : memref<!tpu.dma_semaphore, #tpu.memory_space<semaphore_mem>>) src(%dma_wait3A_100 : memref<102400x128xf32, #tpu.memory_space<hbm>>) dst(%dma_wait3A_95 : memref<128x128xf32, #tpu.memory_space<vmem>>)
    %add3A_101 = arith.constant 512 : i32
    %add3A_102 = arith.addi %mul3A_2, %add3A_101 : i32
    "tpu.region"() ({
      %run_scoped3A = tpu.sem_alloc : memref<!tpu.dma_semaphore, #tpu.memory_space<semaphore_mem>>
      %dma_start3A_137 = arith.constant 0 : i32
      %dma_start3A_138 = tpu.memref_slice %arg4[%add3A_102, %dma_start3A_137] : memref<32768x128xf32, #tpu.memory_space<hbm>> -> memref<256x128xf32, #tpu.memory_space<hbm>>
      %dma_start3A_139 = arith.constant 0 : i32
      %dma_start3A_140 = tpu.memref_slice %arg4[%add3A_102, %dma_start3A_139] : memref<32768x128xf32, #tpu.memory_space<hbm>> -> memref<256x128xf32, #tpu.memory_space<hbm>>
      tpu.enqueue_dma source(%arg6 : memref<256x128xf32, #tpu.memory_space<vmem>>) target(%dma_start3A_140 : memref<256x128xf32, #tpu.memory_space<hbm>>) target_semaphore(%run_scoped3A : memref<!tpu.dma_semaphore, #tpu.memory_space<semaphore_mem>>)
      %dma_wait3A_141 = arith.constant 0 : i32
      %dma_wait3A_142 = tpu.memref_slice %arg4[%add3A_102, %dma_wait3A_141] : memref<32768x128xf32, #tpu.memory_space<hbm>> -> memref<256x128xf32, #tpu.memory_space<hbm>>
      %dma_wait3A_143 = arith.constant 0 : i32
      %dma_wait3A_144 = tpu.memref_slice %arg4[%add3A_102, %dma_wait3A_143] : memref<32768x128xf32, #tpu.memory_space<hbm>> -> memref<256x128xf32, #tpu.memory_space<hbm>>
      tpu.wait_dma2 semaphore(%run_scoped3A : memref<!tpu.dma_semaphore, #tpu.memory_space<semaphore_mem>>) src(%arg6 : memref<256x128xf32, #tpu.memory_space<vmem>>) dst(%dma_wait3A_144 : memref<256x128xf32, #tpu.memory_space<hbm>>)
      tpu.yield
    }) : () -> ()
    %dma_start3A_103 = arith.constant 0 : i32
    %dma_start3A_104 = arith.constant 0 : i32
    %dma_start3A_105 = tpu.memref_slice %arg6[%dma_start3A_103, %dma_start3A_104] : memref<256x128xf32, #tpu.memory_space<vmem>> -> memref<128x128xf32, #tpu.memory_space<vmem>>
    %dma_start3A_106 = arith.constant 768 : i32
    %dma_start3A_107 = tpu.memref_slice %arg5[%dma_start3A_106] : memref<1024xi32, #tpu.memory_space<vmem>> -> memref<128xi32, #tpu.memory_space<vmem>>
    %dma_start3A_108 = arith.constant 0 : i32
    %dma_start3A_109 = arith.constant 0 : i32
    %dma_start3A_110 = tpu.memref_slice %arg2[%dma_start3A_108, %dma_start3A_109] : memref<102400x128xf32, #tpu.memory_space<hbm>> -> memref<102400x128xf32, #tpu.memory_space<hbm>>
    tpu.enqueue_indirect_dma source(%dma_start3A_110 : memref<102400x128xf32, #tpu.memory_space<hbm>>) target(%dma_start3A_105 : memref<128x128xf32, #tpu.memory_space<vmem>>) offsets(%dma_start3A_107 : memref<128xi32, #tpu.memory_space<vmem>>) semaphore(%arg7 : memref<!tpu.dma_semaphore, #tpu.memory_space<semaphore_mem>>)
    %dma_start3A_111 = arith.constant 128 : i32
    %dma_start3A_112 = arith.constant 0 : i32
    %dma_start3A_113 = tpu.memref_slice %arg6[%dma_start3A_111, %dma_start3A_112] : memref<256x128xf32, #tpu.memory_space<vmem>> -> memref<128x128xf32, #tpu.memory_space<vmem>>
    %dma_start3A_114 = arith.constant 896 : i32
    %dma_start3A_115 = tpu.memref_slice %arg5[%dma_start3A_114] : memref<1024xi32, #tpu.memory_space<vmem>> -> memref<128xi32, #tpu.memory_space<vmem>>
    %dma_start3A_116 = arith.constant 0 : i32
    %dma_start3A_117 = arith.constant 0 : i32
    %dma_start3A_118 = tpu.memref_slice %arg2[%dma_start3A_116, %dma_start3A_117] : memref<102400x128xf32, #tpu.memory_space<hbm>> -> memref<102400x128xf32, #tpu.memory_space<hbm>>
    tpu.enqueue_indirect_dma source(%dma_start3A_118 : memref<102400x128xf32, #tpu.memory_space<hbm>>) target(%dma_start3A_113 : memref<128x128xf32, #tpu.memory_space<vmem>>) offsets(%dma_start3A_115 : memref<128xi32, #tpu.memory_space<vmem>>) semaphore(%arg7 : memref<!tpu.dma_semaphore, #tpu.memory_space<semaphore_mem>>)
    %dma_wait3A_119 = arith.constant 0 : i32
    %dma_wait3A_120 = arith.constant 0 : i32
    %dma_wait3A_121 = tpu.memref_slice %arg6[%dma_wait3A_119, %dma_wait3A_120] : memref<256x128xf32, #tpu.memory_space<vmem>> -> memref<128x128xf32, #tpu.memory_space<vmem>>
    %dma_wait3A_122 = arith.constant 768 : i32
    %dma_wait3A_123 = tpu.memref_slice %arg5[%dma_wait3A_122] : memref<1024xi32, #tpu.memory_space<vmem>> -> memref<128xi32, #tpu.memory_space<vmem>>
    %dma_wait3A_124 = arith.constant 0 : i32
    %dma_wait3A_125 = arith.constant 0 : i32
    %dma_wait3A_126 = tpu.memref_slice %arg2[%dma_wait3A_124, %dma_wait3A_125] : memref<102400x128xf32, #tpu.memory_space<hbm>> -> memref<102400x128xf32, #tpu.memory_space<hbm>>
    tpu.wait_indirect_dma semaphore(%arg7 : memref<!tpu.dma_semaphore, #tpu.memory_space<semaphore_mem>>) src(%dma_wait3A_126 : memref<102400x128xf32, #tpu.memory_space<hbm>>) dst(%dma_wait3A_121 : memref<128x128xf32, #tpu.memory_space<vmem>>)
    %dma_wait3A_127 = arith.constant 128 : i32
    %dma_wait3A_128 = arith.constant 0 : i32
    %dma_wait3A_129 = tpu.memref_slice %arg6[%dma_wait3A_127, %dma_wait3A_128] : memref<256x128xf32, #tpu.memory_space<vmem>> -> memref<128x128xf32, #tpu.memory_space<vmem>>
    %dma_wait3A_130 = arith.constant 896 : i32
    %dma_wait3A_131 = tpu.memref_slice %arg5[%dma_wait3A_130] : memref<1024xi32, #tpu.memory_space<vmem>> -> memref<128xi32, #tpu.memory_space<vmem>>
    %dma_wait3A_132 = arith.constant 0 : i32
    %dma_wait3A_133 = arith.constant 0 : i32
    %dma_wait3A_134 = tpu.memref_slice %arg2[%dma_wait3A_132, %dma_wait3A_133] : memref<102400x128xf32, #tpu.memory_space<hbm>> -> memref<102400x128xf32, #tpu.memory_space<hbm>>
    tpu.wait_indirect_dma semaphore(%arg7 : memref<!tpu.dma_semaphore, #tpu.memory_space<semaphore_mem>>) src(%dma_wait3A_134 : memref<102400x128xf32, #tpu.memory_space<hbm>>) dst(%dma_wait3A_129 : memref<128x128xf32, #tpu.memory_space<vmem>>)
    %add3A_135 = arith.constant 768 : i32
    %add3A_136 = arith.addi %mul3A_2, %add3A_135 : i32
    "tpu.region"() ({
      %run_scoped3A = tpu.sem_alloc : memref<!tpu.dma_semaphore, #tpu.memory_space<semaphore_mem>>
      %dma_start3A_137 = arith.constant 0 : i32
      %dma_start3A_138 = tpu.memref_slice %arg4[%add3A_136, %dma_start3A_137] : memref<32768x128xf32, #tpu.memory_space<hbm>> -> memref<256x128xf32, #tpu.memory_space<hbm>>
      %dma_start3A_139 = arith.constant 0 : i32
      %dma_start3A_140 = tpu.memref_slice %arg4[%add3A_136, %dma_start3A_139] : memref<32768x128xf32, #tpu.memory_space<hbm>> -> memref<256x128xf32, #tpu.memory_space<hbm>>
      tpu.enqueue_dma source(%arg6 : memref<256x128xf32, #tpu.memory_space<vmem>>) target(%dma_start3A_140 : memref<256x128xf32, #tpu.memory_space<hbm>>) target_semaphore(%run_scoped3A : memref<!tpu.dma_semaphore, #tpu.memory_space<semaphore_mem>>)
      %dma_wait3A_141 = arith.constant 0 : i32
      %dma_wait3A_142 = tpu.memref_slice %arg4[%add3A_136, %dma_wait3A_141] : memref<32768x128xf32, #tpu.memory_space<hbm>> -> memref<256x128xf32, #tpu.memory_space<hbm>>
      %dma_wait3A_143 = arith.constant 0 : i32
      %dma_wait3A_144 = tpu.memref_slice %arg4[%add3A_136, %dma_wait3A_143] : memref<32768x128xf32, #tpu.memory_space<hbm>> -> memref<256x128xf32, #tpu.memory_space<hbm>>
      tpu.wait_dma2 semaphore(%run_scoped3A : memref<!tpu.dma_semaphore, #tpu.memory_space<semaphore_mem>>) src(%arg6 : memref<256x128xf32, #tpu.memory_space<vmem>>) dst(%dma_wait3A_144 : memref<256x128xf32, #tpu.memory_space<hbm>>)
      tpu.yield
    }) : () -> ()
    return
  }
}

module attributes {stable_mosaic.version = 14 : i64} {
  func.func @_cemb_body(%arg0: i32, %arg1: memref<1024x128xf32, #tpu.memory_space<vmem>>, %arg2: memref<128x128xf32, #tpu.memory_space<vmem>>, %arg3: memref<1x128xf32, #tpu.memory_space<vmem>>, %arg4: memref<1x128xf32, #tpu.memory_space<vmem>>, %arg5: memref<1x128xf32, #tpu.memory_space<vmem>>, %arg6: memref<128x128xf32, #tpu.memory_space<vmem>>, %arg7: memref<1x128xf32, #tpu.memory_space<vmem>>, %arg8: memref<128x128xf32, #tpu.memory_space<vmem>>, %arg9: memref<1x128xf32, #tpu.memory_space<vmem>>, %arg10: memref<1x128xf32, #tpu.memory_space<vmem>>, %arg11: memref<1x128xf32, #tpu.memory_space<vmem>>, %arg12: memref<1024x128xf32, #tpu.memory_space<vmem>>, %arg13: memref<1024x1xf32, #tpu.memory_space<vmem>>) attributes {dimension_semantics = [#tpu.dimension_semantics<parallel>], iteration_bounds = array<i64: 100>, scalar_prefetch = 0 : i64, scratch_operands = 0 : i64, tpu.core_type = #tpu.core_type<tc>, window_params = [{transform_indices = @transform_0, window_bounds = array<i64: 1024, 128>}, {pipeline_mode = #tpu.pipeline_mode<synchronous>, transform_indices = @transform_1, window_bounds = array<i64: 128, 128>}, {pipeline_mode = #tpu.pipeline_mode<synchronous>, transform_indices = @transform_2, window_bounds = array<i64: 1, 128>}, {pipeline_mode = #tpu.pipeline_mode<synchronous>, transform_indices = @transform_3, window_bounds = array<i64: 1, 128>}, {pipeline_mode = #tpu.pipeline_mode<synchronous>, transform_indices = @transform_4, window_bounds = array<i64: 1, 128>}, {pipeline_mode = #tpu.pipeline_mode<synchronous>, transform_indices = @transform_5, window_bounds = array<i64: 128, 128>}, {pipeline_mode = #tpu.pipeline_mode<synchronous>, transform_indices = @transform_6, window_bounds = array<i64: 1, 128>}, {pipeline_mode = #tpu.pipeline_mode<synchronous>, transform_indices = @transform_7, window_bounds = array<i64: 128, 128>}, {pipeline_mode = #tpu.pipeline_mode<synchronous>, transform_indices = @transform_8, window_bounds = array<i64: 1, 128>}, {pipeline_mode = #tpu.pipeline_mode<synchronous>, transform_indices = @transform_9, window_bounds = array<i64: 1, 128>}, {pipeline_mode = #tpu.pipeline_mode<synchronous>, transform_indices = @transform_10, window_bounds = array<i64: 1, 128>}, {transform_indices = @transform_11, window_bounds = array<i64: 1024, 128>}, {transform_indices = @transform_12, window_bounds = array<i64: 1024, 1>}]} {
    %get3A = arith.constant 0 : index
    %get3A_0 = arith.constant 0 : index
    %get3A_1 = vector.load %arg1[%get3A, %get3A_0] : memref<1024x128xf32, #tpu.memory_space<vmem>>, vector<1024x128xf32>
    %get3A_2 = arith.constant 0 : index
    %get3A_3 = arith.constant 0 : index
    %get3A_4 = vector.load %arg2[%get3A_2, %get3A_3] : memref<128x128xf32, #tpu.memory_space<vmem>>, vector<128x128xf32>
    %get3A_5 = arith.constant 0 : index
    %get3A_6 = arith.constant 0 : index
    %get3A_7 = vector.load %arg3[%get3A_5, %get3A_6] : memref<1x128xf32, #tpu.memory_space<vmem>>, vector<1x128xf32>
    %get3A_8 = arith.constant 0 : index
    %get3A_9 = arith.constant 0 : index
    %get3A_10 = vector.load %arg4[%get3A_8, %get3A_9] : memref<1x128xf32, #tpu.memory_space<vmem>>, vector<1x128xf32>
    %get3A_11 = arith.constant 0 : index
    %get3A_12 = arith.constant 0 : index
    %get3A_13 = vector.load %arg5[%get3A_11, %get3A_12] : memref<1x128xf32, #tpu.memory_space<vmem>>, vector<1x128xf32>
    %get3A_14 = arith.constant 0 : index
    %get3A_15 = arith.constant 0 : index
    %get3A_16 = vector.load %arg6[%get3A_14, %get3A_15] : memref<128x128xf32, #tpu.memory_space<vmem>>, vector<128x128xf32>
    %get3A_17 = arith.constant 0 : index
    %get3A_18 = arith.constant 0 : index
    %get3A_19 = vector.load %arg7[%get3A_17, %get3A_18] : memref<1x128xf32, #tpu.memory_space<vmem>>, vector<1x128xf32>
    %get3A_20 = arith.constant 0 : index
    %get3A_21 = arith.constant 0 : index
    %get3A_22 = vector.load %arg8[%get3A_20, %get3A_21] : memref<128x128xf32, #tpu.memory_space<vmem>>, vector<128x128xf32>
    %get3A_23 = arith.constant 0 : index
    %get3A_24 = arith.constant 0 : index
    %get3A_25 = vector.load %arg9[%get3A_23, %get3A_24] : memref<1x128xf32, #tpu.memory_space<vmem>>, vector<1x128xf32>
    %get3A_26 = arith.constant 0 : index
    %get3A_27 = arith.constant 0 : index
    %get3A_28 = vector.load %arg10[%get3A_26, %get3A_27] : memref<1x128xf32, #tpu.memory_space<vmem>>, vector<1x128xf32>
    %get3A_29 = arith.constant 0 : index
    %get3A_30 = arith.constant 0 : index
    %get3A_31 = vector.load %arg11[%get3A_29, %get3A_30] : memref<1x128xf32, #tpu.memory_space<vmem>>, vector<1x128xf32>
    %sqrt3A = arith.constant 1.000010e+00 : f32
    %sqrt3A_32 = math.sqrt %sqrt3A : f32
    %div3A = arith.constant 1.000000e+00 : f32
    %div3A_33 = arith.divf %div3A, %sqrt3A_32 : f32
    %dot_general3A = arith.constant dense<0.000000e+00> : vector<1024x128xf32>
    %dot_general3A_34 = tpu.matmul %get3A_1, %get3A_4, %dot_general3A {dimension_numbers = #tpu.dot_dimension_numbers<[1], [1], [0], [0], [0, 0, 1, 0], [], []>, transpose_lhs_hint = false} : vector<1024x128xf32>, vector<128x128xf32>, vector<1024x128xf32> -> vector<1024x128xf32>
    %add3A = vector.broadcast %get3A_7 : vector<1x128xf32> to vector<1024x128xf32>
    %add3A_35 = arith.addf %dot_general3A_34, %add3A : vector<1024x128xf32>
    %mul3A = vector.broadcast %div3A_33 : f32 to vector<1024x128xf32>
    %mul3A_36 = arith.mulf %add3A_35, %mul3A : vector<1024x128xf32>
    %mul3A_37 = vector.broadcast %get3A_10 : vector<1x128xf32> to vector<1024x128xf32>
    %mul3A_38 = arith.mulf %mul3A_37, %mul3A_36 : vector<1024x128xf32>
    %add3A_39 = vector.broadcast %get3A_13 : vector<1x128xf32> to vector<1024x128xf32>
    %add3A_40 = arith.addf %mul3A_38, %add3A_39 : vector<1024x128xf32>
    %dot_general3A_41 = arith.constant dense<0.000000e+00> : vector<1024x128xf32>
    %dot_general3A_42 = tpu.matmul %add3A_40, %get3A_16, %dot_general3A_41 {dimension_numbers = #tpu.dot_dimension_numbers<[1], [1], [0], [0], [0, 0, 1, 0], [], []>, transpose_lhs_hint = false} : vector<1024x128xf32>, vector<128x128xf32>, vector<1024x128xf32> -> vector<1024x128xf32>
    %add3A_43 = vector.broadcast %get3A_19 : vector<1x128xf32> to vector<1024x128xf32>
    %add3A_44 = arith.addf %dot_general3A_42, %add3A_43 : vector<1024x128xf32>
    %max3A = arith.constant 0.000000e+00 : f32
    %max3A_45 = vector.broadcast %max3A : f32 to vector<1024x128xf32>
    %max3A_46 = arith.maximumf %add3A_44, %max3A_45 : vector<1024x128xf32>
    %dot_general3A_47 = arith.constant dense<0.000000e+00> : vector<1024x128xf32>
    %dot_general3A_48 = tpu.matmul %max3A_46, %get3A_22, %dot_general3A_47 {dimension_numbers = #tpu.dot_dimension_numbers<[1], [1], [0], [0], [0, 0, 1, 0], [], []>, transpose_lhs_hint = false} : vector<1024x128xf32>, vector<128x128xf32>, vector<1024x128xf32> -> vector<1024x128xf32>
    %add3A_49 = vector.broadcast %get3A_25 : vector<1x128xf32> to vector<1024x128xf32>
    %add3A_50 = arith.addf %dot_general3A_48, %add3A_49 : vector<1024x128xf32>
    %mul3A_51 = vector.broadcast %div3A_33 : f32 to vector<1024x128xf32>
    %mul3A_52 = arith.mulf %add3A_50, %mul3A_51 : vector<1024x128xf32>
    %mul3A_53 = vector.broadcast %get3A_28 : vector<1x128xf32> to vector<1024x128xf32>
    %mul3A_54 = arith.mulf %mul3A_53, %mul3A_52 : vector<1024x128xf32>
    %add3A_55 = vector.broadcast %get3A_31 : vector<1x128xf32> to vector<1024x128xf32>
    %add3A_56 = arith.addf %mul3A_54, %add3A_55 : vector<1024x128xf32>
    %swap3A = arith.constant 0 : index
    %swap3A_57 = arith.constant 0 : index
    %swap3A_58 = vector.load %arg12[%swap3A, %swap3A_57] : memref<1024x128xf32, #tpu.memory_space<vmem>>, vector<1024x128xf32>
    tpu.vector_store %arg12[%swap3A, %swap3A_57], %add3A_56 {strides = array<i32>} : memref<1024x128xf32, #tpu.memory_space<vmem>>, vector<1024x128xf32>,
    %mul3A_59 = arith.mulf %add3A_56, %add3A_56 : vector<1024x128xf32>
    %reduce_sum3A = arith.constant dense<0.000000e+00> : vector<1024xf32>
    %reduce_sum3A_60 = vector.multi_reduction <add>, %mul3A_59, %reduce_sum3A [1] : vector<1024x128xf32> to vector<1024xf32>
    %broadcast_in_dim3A = vector.shape_cast %reduce_sum3A_60 : vector<1024xf32> to vector<1024x1xf32>
    %iota3A = tpu.iota {dimensions = array<i32: 0>} : vector<1024x1xi32>
    %mul3A_61 = arith.constant 1024 : i32
    %mul3A_62 = arith.muli %arg0, %mul3A_61 : i32
    %add3A_63 = vector.broadcast %mul3A_62 : i32 to vector<1024x1xi32>
    %add3A_64 = arith.addi %iota3A, %add3A_63 : vector<1024x1xi32>
    %ge3A = arith.constant 100000 : i32
    %ge3A_65 = vector.broadcast %ge3A : i32 to vector<1024x1xi32>
    %ge3A_66 = arith.cmpi sge, %add3A_64, %ge3A_65 : vector<1024x1xi32>
    %jit3A = arith.constant 1.000000e+30 : f32
    %broadcast_in_dim3A_67 = vector.broadcast %jit3A : f32 to vector<1024x1xf32>
    %select_n3A = arith.select %ge3A_66, %broadcast_in_dim3A_67, %broadcast_in_dim3A : vector<1024x1xi1>, vector<1024x1xf32>
    %swap3A_68 = arith.constant 0 : index
    %swap3A_69 = arith.constant 0 : index
    %swap3A_70 = vector.load %arg13[%swap3A_68, %swap3A_69] : memref<1024x1xf32, #tpu.memory_space<vmem>>, vector<1024x1xf32>
    tpu.vector_store %arg13[%swap3A_68, %swap3A_69], %select_n3A {strides = array<i32>} : memref<1024x1xf32, #tpu.memory_space<vmem>>, vector<1024x1xf32>,
    return
  }
  func.func @transform_0(%arg0: i32) -> (i32, i32) {
    %c0_i32 = arith.constant 0 : i32
    %c0_i32_0 = arith.constant 0 : i32
    return %arg0, %c0_i32 : i32, i32
  }
  func.func @transform_1(%arg0: i32) -> (i32, i32) {
    %c0_i32 = arith.constant 0 : i32
    %c0_i32_0 = arith.constant 0 : i32
    %c0_i32_1 = arith.constant 0 : i32
    return %c0_i32, %c0_i32_0 : i32, i32
  }
  func.func @transform_2(%arg0: i32) -> (i32, i32) {
    %c0_i32 = arith.constant 0 : i32
    %c0_i32_0 = arith.constant 0 : i32
    %c0_i32_1 = arith.constant 0 : i32
    return %c0_i32, %c0_i32_0 : i32, i32
  }
  func.func @transform_3(%arg0: i32) -> (i32, i32) {
    %c0_i32 = arith.constant 0 : i32
    %c0_i32_0 = arith.constant 0 : i32
    %c0_i32_1 = arith.constant 0 : i32
    return %c0_i32, %c0_i32_0 : i32, i32
  }
  func.func @transform_4(%arg0: i32) -> (i32, i32) {
    %c0_i32 = arith.constant 0 : i32
    %c0_i32_0 = arith.constant 0 : i32
    %c0_i32_1 = arith.constant 0 : i32
    return %c0_i32, %c0_i32_0 : i32, i32
  }
  func.func @transform_5(%arg0: i32) -> (i32, i32) {
    %c0_i32 = arith.constant 0 : i32
    %c0_i32_0 = arith.constant 0 : i32
    %c0_i32_1 = arith.constant 0 : i32
    return %c0_i32, %c0_i32_0 : i32, i32
  }
  func.func @transform_6(%arg0: i32) -> (i32, i32) {
    %c0_i32 = arith.constant 0 : i32
    %c0_i32_0 = arith.constant 0 : i32
    %c0_i32_1 = arith.constant 0 : i32
    return %c0_i32, %c0_i32_0 : i32, i32
  }
  func.func @transform_7(%arg0: i32) -> (i32, i32) {
    %c0_i32 = arith.constant 0 : i32
    %c0_i32_0 = arith.constant 0 : i32
    %c0_i32_1 = arith.constant 0 : i32
    return %c0_i32, %c0_i32_0 : i32, i32
  }
  func.func @transform_8(%arg0: i32) -> (i32, i32) {
    %c0_i32 = arith.constant 0 : i32
    %c0_i32_0 = arith.constant 0 : i32
    %c0_i32_1 = arith.constant 0 : i32
    return %c0_i32, %c0_i32_0 : i32, i32
  }
  func.func @transform_9(%arg0: i32) -> (i32, i32) {
    %c0_i32 = arith.constant 0 : i32
    %c0_i32_0 = arith.constant 0 : i32
    %c0_i32_1 = arith.constant 0 : i32
    return %c0_i32, %c0_i32_0 : i32, i32
  }
  func.func @transform_10(%arg0: i32) -> (i32, i32) {
    %c0_i32 = arith.constant 0 : i32
    %c0_i32_0 = arith.constant 0 : i32
    %c0_i32_1 = arith.constant 0 : i32
    return %c0_i32, %c0_i32_0 : i32, i32
  }
  func.func @transform_11(%arg0: i32) -> (i32, i32) {
    %c0_i32 = arith.constant 0 : i32
    %c0_i32_0 = arith.constant 0 : i32
    return %arg0, %c0_i32 : i32, i32
  }
  func.func @transform_12(%arg0: i32) -> (i32, i32) {
    %c0_i32 = arith.constant 0 : i32
    %c0_i32_0 = arith.constant 0 : i32
    return %arg0, %c0_i32 : i32, i32
  }
}

module attributes {stable_mosaic.version = 14 : i64} {
  func.func @_xside_body(%arg0: memref<1024x128xf32, #tpu.memory_space<vmem>>, %arg1: memref<128x128xf32, #tpu.memory_space<vmem>>, %arg2: memref<1x128xf32, #tpu.memory_space<vmem>>, %arg3: memref<1x128xf32, #tpu.memory_space<vmem>>, %arg4: memref<1x128xf32, #tpu.memory_space<vmem>>, %arg5: memref<128x128xf32, #tpu.memory_space<vmem>>, %arg6: memref<1x128xf32, #tpu.memory_space<vmem>>, %arg7: memref<128x128xf32, #tpu.memory_space<vmem>>, %arg8: memref<1x128xf32, #tpu.memory_space<vmem>>, %arg9: memref<1x128xf32, #tpu.memory_space<vmem>>, %arg10: memref<1x128xf32, #tpu.memory_space<vmem>>, %arg11: memref<256x128xf32, #tpu.memory_space<vmem>>, %arg12: memref<1x256xf32, #tpu.memory_space<vmem>>, %arg13: memref<1024x128xf32, #tpu.memory_space<vmem>>, %arg14: memref<1024x1xf32, #tpu.memory_space<vmem>>, %arg15: memref<1024x256xf32, #tpu.memory_space<vmem>>) attributes {dimension_semantics = [], scalar_prefetch = 0 : i64, scratch_operands = 0 : i64, tpu.core_type = #tpu.core_type<tc>} {
    %get3A = arith.constant 0 : index
    %get3A_0 = arith.constant 0 : index
    %get3A_1 = vector.load %arg0[%get3A, %get3A_0] : memref<1024x128xf32, #tpu.memory_space<vmem>>, vector<1024x128xf32>
    %get3A_2 = arith.constant 0 : index
    %get3A_3 = arith.constant 0 : index
    %get3A_4 = vector.load %arg1[%get3A_2, %get3A_3] : memref<128x128xf32, #tpu.memory_space<vmem>>, vector<128x128xf32>
    %get3A_5 = arith.constant 0 : index
    %get3A_6 = arith.constant 0 : index
    %get3A_7 = vector.load %arg2[%get3A_5, %get3A_6] : memref<1x128xf32, #tpu.memory_space<vmem>>, vector<1x128xf32>
    %get3A_8 = arith.constant 0 : index
    %get3A_9 = arith.constant 0 : index
    %get3A_10 = vector.load %arg3[%get3A_8, %get3A_9] : memref<1x128xf32, #tpu.memory_space<vmem>>, vector<1x128xf32>
    %get3A_11 = arith.constant 0 : index
    %get3A_12 = arith.constant 0 : index
    %get3A_13 = vector.load %arg4[%get3A_11, %get3A_12] : memref<1x128xf32, #tpu.memory_space<vmem>>, vector<1x128xf32>
    %get3A_14 = arith.constant 0 : index
    %get3A_15 = arith.constant 0 : index
    %get3A_16 = vector.load %arg5[%get3A_14, %get3A_15] : memref<128x128xf32, #tpu.memory_space<vmem>>, vector<128x128xf32>
    %get3A_17 = arith.constant 0 : index
    %get3A_18 = arith.constant 0 : index
    %get3A_19 = vector.load %arg6[%get3A_17, %get3A_18] : memref<1x128xf32, #tpu.memory_space<vmem>>, vector<1x128xf32>
    %get3A_20 = arith.constant 0 : index
    %get3A_21 = arith.constant 0 : index
    %get3A_22 = vector.load %arg7[%get3A_20, %get3A_21] : memref<128x128xf32, #tpu.memory_space<vmem>>, vector<128x128xf32>
    %get3A_23 = arith.constant 0 : index
    %get3A_24 = arith.constant 0 : index
    %get3A_25 = vector.load %arg8[%get3A_23, %get3A_24] : memref<1x128xf32, #tpu.memory_space<vmem>>, vector<1x128xf32>
    %get3A_26 = arith.constant 0 : index
    %get3A_27 = arith.constant 0 : index
    %get3A_28 = vector.load %arg9[%get3A_26, %get3A_27] : memref<1x128xf32, #tpu.memory_space<vmem>>, vector<1x128xf32>
    %get3A_29 = arith.constant 0 : index
    %get3A_30 = arith.constant 0 : index
    %get3A_31 = vector.load %arg10[%get3A_29, %get3A_30] : memref<1x128xf32, #tpu.memory_space<vmem>>, vector<1x128xf32>
    %sqrt3A = arith.constant 1.000010e+00 : f32
    %sqrt3A_32 = math.sqrt %sqrt3A : f32
    %div3A = arith.constant 1.000000e+00 : f32
    %div3A_33 = arith.divf %div3A, %sqrt3A_32 : f32
    %dot_general3A = arith.constant dense<0.000000e+00> : vector<1024x128xf32>
    %dot_general3A_34 = tpu.matmul %get3A_1, %get3A_4, %dot_general3A {dimension_numbers = #tpu.dot_dimension_numbers<[1], [1], [0], [0], [0, 0, 1, 0], [], []>, transpose_lhs_hint = false} : vector<1024x128xf32>, vector<128x128xf32>, vector<1024x128xf32> -> vector<1024x128xf32>
    %add3A = vector.broadcast %get3A_7 : vector<1x128xf32> to vector<1024x128xf32>
    %add3A_35 = arith.addf %dot_general3A_34, %add3A : vector<1024x128xf32>
    %mul3A = vector.broadcast %div3A_33 : f32 to vector<1024x128xf32>
    %mul3A_36 = arith.mulf %add3A_35, %mul3A : vector<1024x128xf32>
    %mul3A_37 = vector.broadcast %get3A_10 : vector<1x128xf32> to vector<1024x128xf32>
    %mul3A_38 = arith.mulf %mul3A_37, %mul3A_36 : vector<1024x128xf32>
    %add3A_39 = vector.broadcast %get3A_13 : vector<1x128xf32> to vector<1024x128xf32>
    %add3A_40 = arith.addf %mul3A_38, %add3A_39 : vector<1024x128xf32>
    %dot_general3A_41 = arith.constant dense<0.000000e+00> : vector<1024x128xf32>
    %dot_general3A_42 = tpu.matmul %add3A_40, %get3A_16, %dot_general3A_41 {dimension_numbers = #tpu.dot_dimension_numbers<[1], [1], [0], [0], [0, 0, 1, 0], [], []>, transpose_lhs_hint = false} : vector<1024x128xf32>, vector<128x128xf32>, vector<1024x128xf32> -> vector<1024x128xf32>
    %add3A_43 = vector.broadcast %get3A_19 : vector<1x128xf32> to vector<1024x128xf32>
    %add3A_44 = arith.addf %dot_general3A_42, %add3A_43 : vector<1024x128xf32>
    %max3A = arith.constant 0.000000e+00 : f32
    %max3A_45 = vector.broadcast %max3A : f32 to vector<1024x128xf32>
    %max3A_46 = arith.maximumf %add3A_44, %max3A_45 : vector<1024x128xf32>
    %dot_general3A_47 = arith.constant dense<0.000000e+00> : vector<1024x128xf32>
    %dot_general3A_48 = tpu.matmul %max3A_46, %get3A_22, %dot_general3A_47 {dimension_numbers = #tpu.dot_dimension_numbers<[1], [1], [0], [0], [0, 0, 1, 0], [], []>, transpose_lhs_hint = false} : vector<1024x128xf32>, vector<128x128xf32>, vector<1024x128xf32> -> vector<1024x128xf32>
    %add3A_49 = vector.broadcast %get3A_25 : vector<1x128xf32> to vector<1024x128xf32>
    %add3A_50 = arith.addf %dot_general3A_48, %add3A_49 : vector<1024x128xf32>
    %mul3A_51 = vector.broadcast %div3A_33 : f32 to vector<1024x128xf32>
    %mul3A_52 = arith.mulf %add3A_50, %mul3A_51 : vector<1024x128xf32>
    %mul3A_53 = vector.broadcast %get3A_28 : vector<1x128xf32> to vector<1024x128xf32>
    %mul3A_54 = arith.mulf %mul3A_53, %mul3A_52 : vector<1024x128xf32>
    %add3A_55 = vector.broadcast %get3A_31 : vector<1x128xf32> to vector<1024x128xf32>
    %add3A_56 = arith.addf %mul3A_54, %add3A_55 : vector<1024x128xf32>
    %swap3A = arith.constant 0 : index
    %swap3A_57 = arith.constant 0 : index
    %swap3A_58 = vector.load %arg13[%swap3A, %swap3A_57] : memref<1024x128xf32, #tpu.memory_space<vmem>>, vector<1024x128xf32>
    tpu.vector_store %arg13[%swap3A, %swap3A_57], %add3A_56 {strides = array<i32>} : memref<1024x128xf32, #tpu.memory_space<vmem>>, vector<1024x128xf32>,
    %mul3A_59 = arith.mulf %add3A_56, %add3A_56 : vector<1024x128xf32>
    %reduce_sum3A = arith.constant dense<0.000000e+00> : vector<1024xf32>
    %reduce_sum3A_60 = vector.multi_reduction <add>, %mul3A_59, %reduce_sum3A [1] : vector<1024x128xf32> to vector<1024xf32>
    %broadcast_in_dim3A = vector.shape_cast %reduce_sum3A_60 : vector<1024xf32> to vector<1024x1xf32>
    %swap3A_61 = arith.constant 0 : index
    %swap3A_62 = arith.constant 0 : index
    %swap3A_63 = vector.load %arg14[%swap3A_61, %swap3A_62] : memref<1024x1xf32, #tpu.memory_space<vmem>>, vector<1024x1xf32>
    tpu.vector_store %arg14[%swap3A_61, %swap3A_62], %broadcast_in_dim3A {strides = array<i32>} : memref<1024x1xf32, #tpu.memory_space<vmem>>, vector<1024x1xf32>,
    %get3A_64 = arith.constant 0 : index
    %get3A_65 = arith.constant 0 : index
    %get3A_66 = vector.load %arg11[%get3A_64, %get3A_65] : memref<256x128xf32, #tpu.memory_space<vmem>>, vector<256x128xf32>
    %dot_general3A_67 = arith.constant dense<0.000000e+00> : vector<1024x256xf32>
    %dot_general3A_68 = tpu.matmul %add3A_56, %get3A_66, %dot_general3A_67 {dimension_numbers = #tpu.dot_dimension_numbers<[1], [1], [0], [0], [0, 0, 1, 0], [], []>, transpose_lhs_hint = false} : vector<1024x128xf32>, vector<256x128xf32>, vector<1024x256xf32> -> vector<1024x256xf32>
    %get3A_69 = arith.constant 0 : index
    %get3A_70 = arith.constant 0 : index
    %get3A_71 = vector.load %arg12[%get3A_69, %get3A_70] : memref<1x256xf32, #tpu.memory_space<vmem>>, vector<1x256xf32>
    %add3A_72 = vector.broadcast %get3A_71 : vector<1x256xf32> to vector<1024x256xf32>
    %add3A_73 = arith.addf %dot_general3A_68, %add3A_72 : vector<1024x256xf32>
    %swap3A_74 = arith.constant 0 : index
    %swap3A_75 = arith.constant 0 : index
    %swap3A_76 = vector.load %arg15[%swap3A_74, %swap3A_75] : memref<1024x256xf32, #tpu.memory_space<vmem>>, vector<1024x256xf32>
    tpu.vector_store %arg15[%swap3A_74, %swap3A_75], %add3A_73 {strides = array<i32>} : memref<1024x256xf32, #tpu.memory_space<vmem>>, vector<1024x256xf32>,
    return
  }
}

module attributes {stable_mosaic.version = 14 : i64} {
  func.func @_dist_body(%arg0: i32, %arg1: i32, %arg2: memref<256x128xf32, #tpu.memory_space<vmem>>, %arg3: memref<256x1xf32, #tpu.memory_space<vmem>>, %arg4: memref<4096x128xf32, #tpu.memory_space<vmem>>, %arg5: memref<1x4096xf32, #tpu.memory_space<vmem>>, %arg6: memref<256x4096xf32, #tpu.memory_space<vmem>>, %arg7: memref<32x256xf32, #tpu.memory_space<vmem>>) attributes {dimension_semantics = [#tpu.dimension_semantics<parallel>, #tpu.dimension_semantics<parallel>], iteration_bounds = array<i64: 4, 25>, scalar_prefetch = 0 : i64, scratch_operands = 0 : i64, tpu.core_type = #tpu.core_type<tc>, window_params = [{transform_indices = @transform_0, window_bounds = array<i64: 256, 128>}, {transform_indices = @transform_1, window_bounds = array<i64: 256, 1>}, {transform_indices = @transform_2, window_bounds = array<i64: 4096, 128>}, {transform_indices = @transform_3, window_bounds = array<i64: 1, 4096>}, {transform_indices = @transform_4, window_bounds = array<i64: 256, 4096>}, {transform_indices = @transform_5, window_bounds = array<i64: 32, 256>}]} {
    %get3A = arith.constant 0 : index
    %get3A_0 = arith.constant 0 : index
    %get3A_1 = vector.load %arg2[%get3A, %get3A_0] : memref<256x128xf32, #tpu.memory_space<vmem>>, vector<256x128xf32>
    %get3A_2 = arith.constant 0 : index
    %get3A_3 = arith.constant 0 : index
    %get3A_4 = vector.load %arg4[%get3A_2, %get3A_3] : memref<4096x128xf32, #tpu.memory_space<vmem>>, vector<4096x128xf32>
    %dot_general3A = arith.constant dense<0.000000e+00> : vector<256x4096xf32>
    %dot_general3A_5 = tpu.matmul %get3A_1, %get3A_4, %dot_general3A {dimension_numbers = #tpu.dot_dimension_numbers<[1], [1], [0], [0], [0, 0, 1, 0], [], []>, transpose_lhs_hint = false} : vector<256x128xf32>, vector<4096x128xf32>, vector<256x4096xf32> -> vector<256x4096xf32>
    %get3A_6 = arith.constant 0 : index
    %get3A_7 = arith.constant 0 : index
    %get3A_8 = vector.load %arg3[%get3A_6, %get3A_7] : memref<256x1xf32, #tpu.memory_space<vmem>>, vector<256x1xf32>
    %mul3A = arith.constant 2.000000e+00 : f32
    %mul3A_9 = vector.broadcast %mul3A : f32 to vector<256x4096xf32>
    %mul3A_10 = arith.mulf %mul3A_9, %dot_general3A_5 : vector<256x4096xf32>
    %sub3A = vector.broadcast %get3A_8 : vector<256x1xf32> to vector<256x4096xf32>
    %sub3A_11 = arith.subf %sub3A, %mul3A_10 : vector<256x4096xf32>
    %get3A_12 = arith.constant 0 : index
    %get3A_13 = arith.constant 0 : index
    %get3A_14 = vector.load %arg5[%get3A_12, %get3A_13] : memref<1x4096xf32, #tpu.memory_space<vmem>>, vector<1x4096xf32>
    %add3A = vector.broadcast %get3A_14 : vector<1x4096xf32> to vector<256x4096xf32>
    %add3A_15 = arith.addf %sub3A_11, %add3A : vector<256x4096xf32>
    %swap3A = arith.constant 0 : index
    %swap3A_16 = arith.constant 0 : index
    %swap3A_17 = vector.load %arg6[%swap3A, %swap3A_16] : memref<256x4096xf32, #tpu.memory_space<vmem>>, vector<256x4096xf32>
    tpu.vector_store %arg6[%swap3A, %swap3A_16], %add3A_15 {strides = array<i32>} : memref<256x4096xf32, #tpu.memory_space<vmem>>, vector<256x4096xf32>,
    %slice3A = vector.extract_strided_slice %add3A_15 {offsets = [0, 0], sizes = [256, 128], strides = [1, 1]} : vector<256x4096xf32> to vector<256x128xf32>
    %reduce_min3A = arith.constant dense<0x7F800000> : vector<256xf32>
    %reduce_min3A_18 = vector.multi_reduction <minimumf>, %slice3A, %reduce_min3A [1] : vector<256x128xf32> to vector<256xf32>
    %broadcast_in_dim3A = vector.shape_cast %reduce_min3A_18 : vector<256xf32> to vector<256x1xf32>
    %slice3A_19 = vector.extract_strided_slice %add3A_15 {offsets = [0, 128], sizes = [256, 128], strides = [1, 1]} : vector<256x4096xf32> to vector<256x128xf32>
    %reduce_min3A_20 = arith.constant dense<0x7F800000> : vector<256xf32>
    %reduce_min3A_21 = vector.multi_reduction <minimumf>, %slice3A_19, %reduce_min3A_20 [1] : vector<256x128xf32> to vector<256xf32>
    %broadcast_in_dim3A_22 = vector.shape_cast %reduce_min3A_21 : vector<256xf32> to vector<256x1xf32>
    %slice3A_23 = vector.extract_strided_slice %add3A_15 {offsets = [0, 256], sizes = [256, 128], strides = [1, 1]} : vector<256x4096xf32> to vector<256x128xf32>
    %reduce_min3A_24 = arith.constant dense<0x7F800000> : vector<256xf32>
    %reduce_min3A_25 = vector.multi_reduction <minimumf>, %slice3A_23, %reduce_min3A_24 [1] : vector<256x128xf32> to vector<256xf32>
    %broadcast_in_dim3A_26 = vector.shape_cast %reduce_min3A_25 : vector<256xf32> to vector<256x1xf32>
    %slice3A_27 = vector.extract_strided_slice %add3A_15 {offsets = [0, 384], sizes = [256, 128], strides = [1, 1]} : vector<256x4096xf32> to vector<256x128xf32>
    %reduce_min3A_28 = arith.constant dense<0x7F800000> : vector<256xf32>
    %reduce_min3A_29 = vector.multi_reduction <minimumf>, %slice3A_27, %reduce_min3A_28 [1] : vector<256x128xf32> to vector<256xf32>
    %broadcast_in_dim3A_30 = vector.shape_cast %reduce_min3A_29 : vector<256xf32> to vector<256x1xf32>
    %slice3A_31 = vector.extract_strided_slice %add3A_15 {offsets = [0, 512], sizes = [256, 128], strides = [1, 1]} : vector<256x4096xf32> to vector<256x128xf32>
    %reduce_min3A_32 = arith.constant dense<0x7F800000> : vector<256xf32>
    %reduce_min3A_33 = vector.multi_reduction <minimumf>, %slice3A_31, %reduce_min3A_32 [1] : vector<256x128xf32> to vector<256xf32>
    %broadcast_in_dim3A_34 = vector.shape_cast %reduce_min3A_33 : vector<256xf32> to vector<256x1xf32>
    %slice3A_35 = vector.extract_strided_slice %add3A_15 {offsets = [0, 640], sizes = [256, 128], strides = [1, 1]} : vector<256x4096xf32> to vector<256x128xf32>
    %reduce_min3A_36 = arith.constant dense<0x7F800000> : vector<256xf32>
    %reduce_min3A_37 = vector.multi_reduction <minimumf>, %slice3A_35, %reduce_min3A_36 [1] : vector<256x128xf32> to vector<256xf32>
    %broadcast_in_dim3A_38 = vector.shape_cast %reduce_min3A_37 : vector<256xf32> to vector<256x1xf32>
    %slice3A_39 = vector.extract_strided_slice %add3A_15 {offsets = [0, 768], sizes = [256, 128], strides = [1, 1]} : vector<256x4096xf32> to vector<256x128xf32>
    %reduce_min3A_40 = arith.constant dense<0x7F800000> : vector<256xf32>
    %reduce_min3A_41 = vector.multi_reduction <minimumf>, %slice3A_39, %reduce_min3A_40 [1] : vector<256x128xf32> to vector<256xf32>
    %broadcast_in_dim3A_42 = vector.shape_cast %reduce_min3A_41 : vector<256xf32> to vector<256x1xf32>
    %slice3A_43 = vector.extract_strided_slice %add3A_15 {offsets = [0, 896], sizes = [256, 128], strides = [1, 1]} : vector<256x4096xf32> to vector<256x128xf32>
    %reduce_min3A_44 = arith.constant dense<0x7F800000> : vector<256xf32>
    %reduce_min3A_45 = vector.multi_reduction <minimumf>, %slice3A_43, %reduce_min3A_44 [1] : vector<256x128xf32> to vector<256xf32>
    %broadcast_in_dim3A_46 = vector.shape_cast %reduce_min3A_45 : vector<256xf32> to vector<256x1xf32>
    %slice3A_47 = vector.extract_strided_slice %add3A_15 {offsets = [0, 1024], sizes = [256, 128], strides = [1, 1]} : vector<256x4096xf32> to vector<256x128xf32>
    %reduce_min3A_48 = arith.constant dense<0x7F800000> : vector<256xf32>
    %reduce_min3A_49 = vector.multi_reduction <minimumf>, %slice3A_47, %reduce_min3A_48 [1] : vector<256x128xf32> to vector<256xf32>
    %broadcast_in_dim3A_50 = vector.shape_cast %reduce_min3A_49 : vector<256xf32> to vector<256x1xf32>
    %slice3A_51 = vector.extract_strided_slice %add3A_15 {offsets = [0, 1152], sizes = [256, 128], strides = [1, 1]} : vector<256x4096xf32> to vector<256x128xf32>
    %reduce_min3A_52 = arith.constant dense<0x7F800000> : vector<256xf32>
    %reduce_min3A_53 = vector.multi_reduction <minimumf>, %slice3A_51, %reduce_min3A_52 [1] : vector<256x128xf32> to vector<256xf32>
    %broadcast_in_dim3A_54 = vector.shape_cast %reduce_min3A_53 : vector<256xf32> to vector<256x1xf32>
    %slice3A_55 = vector.extract_strided_slice %add3A_15 {offsets = [0, 1280], sizes = [256, 128], strides = [1, 1]} : vector<256x4096xf32> to vector<256x128xf32>
    %reduce_min3A_56 = arith.constant dense<0x7F800000> : vector<256xf32>
    %reduce_min3A_57 = vector.multi_reduction <minimumf>, %slice3A_55, %reduce_min3A_56 [1] : vector<256x128xf32> to vector<256xf32>
    %broadcast_in_dim3A_58 = vector.shape_cast %reduce_min3A_57 : vector<256xf32> to vector<256x1xf32>
    %slice3A_59 = vector.extract_strided_slice %add3A_15 {offsets = [0, 1408], sizes = [256, 128], strides = [1, 1]} : vector<256x4096xf32> to vector<256x128xf32>
    %reduce_min3A_60 = arith.constant dense<0x7F800000> : vector<256xf32>
    %reduce_min3A_61 = vector.multi_reduction <minimumf>, %slice3A_59, %reduce_min3A_60 [1] : vector<256x128xf32> to vector<256xf32>
    %broadcast_in_dim3A_62 = vector.shape_cast %reduce_min3A_61 : vector<256xf32> to vector<256x1xf32>
    %slice3A_63 = vector.extract_strided_slice %add3A_15 {offsets = [0, 1536], sizes = [256, 128], strides = [1, 1]} : vector<256x4096xf32> to vector<256x128xf32>
    %reduce_min3A_64 = arith.constant dense<0x7F800000> : vector<256xf32>
    %reduce_min3A_65 = vector.multi_reduction <minimumf>, %slice3A_63, %reduce_min3A_64 [1] : vector<256x128xf32> to vector<256xf32>
    %broadcast_in_dim3A_66 = vector.shape_cast %reduce_min3A_65 : vector<256xf32> to vector<256x1xf32>
    %slice3A_67 = vector.extract_strided_slice %add3A_15 {offsets = [0, 1664], sizes = [256, 128], strides = [1, 1]} : vector<256x4096xf32> to vector<256x128xf32>
    %reduce_min3A_68 = arith.constant dense<0x7F800000> : vector<256xf32>
    %reduce_min3A_69 = vector.multi_reduction <minimumf>, %slice3A_67, %reduce_min3A_68 [1] : vector<256x128xf32> to vector<256xf32>
    %broadcast_in_dim3A_70 = vector.shape_cast %reduce_min3A_69 : vector<256xf32> to vector<256x1xf32>
    %slice3A_71 = vector.extract_strided_slice %add3A_15 {offsets = [0, 1792], sizes = [256, 128], strides = [1, 1]} : vector<256x4096xf32> to vector<256x128xf32>
    %reduce_min3A_72 = arith.constant dense<0x7F800000> : vector<256xf32>
    %reduce_min3A_73 = vector.multi_reduction <minimumf>, %slice3A_71, %reduce_min3A_72 [1] : vector<256x128xf32> to vector<256xf32>
    %broadcast_in_dim3A_74 = vector.shape_cast %reduce_min3A_73 : vector<256xf32> to vector<256x1xf32>
    %slice3A_75 = vector.extract_strided_slice %add3A_15 {offsets = [0, 1920], sizes = [256, 128], strides = [1, 1]} : vector<256x4096xf32> to vector<256x128xf32>
    %reduce_min3A_76 = arith.constant dense<0x7F800000> : vector<256xf32>
    %reduce_min3A_77 = vector.multi_reduction <minimumf>, %slice3A_75, %reduce_min3A_76 [1] : vector<256x128xf32> to vector<256xf32>
    %broadcast_in_dim3A_78 = vector.shape_cast %reduce_min3A_77 : vector<256xf32> to vector<256x1xf32>
    %slice3A_79 = vector.extract_strided_slice %add3A_15 {offsets = [0, 2048], sizes = [256, 128], strides = [1, 1]} : vector<256x4096xf32> to vector<256x128xf32>
    %reduce_min3A_80 = arith.constant dense<0x7F800000> : vector<256xf32>
    %reduce_min3A_81 = vector.multi_reduction <minimumf>, %slice3A_79, %reduce_min3A_80 [1] : vector<256x128xf32> to vector<256xf32>
    %broadcast_in_dim3A_82 = vector.shape_cast %reduce_min3A_81 : vector<256xf32> to vector<256x1xf32>
    %slice3A_83 = vector.extract_strided_slice %add3A_15 {offsets = [0, 2176], sizes = [256, 128], strides = [1, 1]} : vector<256x4096xf32> to vector<256x128xf32>
    %reduce_min3A_84 = arith.constant dense<0x7F800000> : vector<256xf32>
    %reduce_min3A_85 = vector.multi_reduction <minimumf>, %slice3A_83, %reduce_min3A_84 [1] : vector<256x128xf32> to vector<256xf32>
    %broadcast_in_dim3A_86 = vector.shape_cast %reduce_min3A_85 : vector<256xf32> to vector<256x1xf32>
    %slice3A_87 = vector.extract_strided_slice %add3A_15 {offsets = [0, 2304], sizes = [256, 128], strides = [1, 1]} : vector<256x4096xf32> to vector<256x128xf32>
    %reduce_min3A_88 = arith.constant dense<0x7F800000> : vector<256xf32>
    %reduce_min3A_89 = vector.multi_reduction <minimumf>, %slice3A_87, %reduce_min3A_88 [1] : vector<256x128xf32> to vector<256xf32>
    %broadcast_in_dim3A_90 = vector.shape_cast %reduce_min3A_89 : vector<256xf32> to vector<256x1xf32>
    %slice3A_91 = vector.extract_strided_slice %add3A_15 {offsets = [0, 2432], sizes = [256, 128], strides = [1, 1]} : vector<256x4096xf32> to vector<256x128xf32>
    %reduce_min3A_92 = arith.constant dense<0x7F800000> : vector<256xf32>
    %reduce_min3A_93 = vector.multi_reduction <minimumf>, %slice3A_91, %reduce_min3A_92 [1] : vector<256x128xf32> to vector<256xf32>
    %broadcast_in_dim3A_94 = vector.shape_cast %reduce_min3A_93 : vector<256xf32> to vector<256x1xf32>
    %slice3A_95 = vector.extract_strided_slice %add3A_15 {offsets = [0, 2560], sizes = [256, 128], strides = [1, 1]} : vector<256x4096xf32> to vector<256x128xf32>
    %reduce_min3A_96 = arith.constant dense<0x7F800000> : vector<256xf32>
    %reduce_min3A_97 = vector.multi_reduction <minimumf>, %slice3A_95, %reduce_min3A_96 [1] : vector<256x128xf32> to vector<256xf32>
    %broadcast_in_dim3A_98 = vector.shape_cast %reduce_min3A_97 : vector<256xf32> to vector<256x1xf32>
    %slice3A_99 = vector.extract_strided_slice %add3A_15 {offsets = [0, 2688], sizes = [256, 128], strides = [1, 1]} : vector<256x4096xf32> to vector<256x128xf32>
    %reduce_min3A_100 = arith.constant dense<0x7F800000> : vector<256xf32>
    %reduce_min3A_101 = vector.multi_reduction <minimumf>, %slice3A_99, %reduce_min3A_100 [1] : vector<256x128xf32> to vector<256xf32>
    %broadcast_in_dim3A_102 = vector.shape_cast %reduce_min3A_101 : vector<256xf32> to vector<256x1xf32>
    %slice3A_103 = vector.extract_strided_slice %add3A_15 {offsets = [0, 2816], sizes = [256, 128], strides = [1, 1]} : vector<256x4096xf32> to vector<256x128xf32>
    %reduce_min3A_104 = arith.constant dense<0x7F800000> : vector<256xf32>
    %reduce_min3A_105 = vector.multi_reduction <minimumf>, %slice3A_103, %reduce_min3A_104 [1] : vector<256x128xf32> to vector<256xf32>
    %broadcast_in_dim3A_106 = vector.shape_cast %reduce_min3A_105 : vector<256xf32> to vector<256x1xf32>
    %slice3A_107 = vector.extract_strided_slice %add3A_15 {offsets = [0, 2944], sizes = [256, 128], strides = [1, 1]} : vector<256x4096xf32> to vector<256x128xf32>
    %reduce_min3A_108 = arith.constant dense<0x7F800000> : vector<256xf32>
    %reduce_min3A_109 = vector.multi_reduction <minimumf>, %slice3A_107, %reduce_min3A_108 [1] : vector<256x128xf32> to vector<256xf32>
    %broadcast_in_dim3A_110 = vector.shape_cast %reduce_min3A_109 : vector<256xf32> to vector<256x1xf32>
    %slice3A_111 = vector.extract_strided_slice %add3A_15 {offsets = [0, 3072], sizes = [256, 128], strides = [1, 1]} : vector<256x4096xf32> to vector<256x128xf32>
    %reduce_min3A_112 = arith.constant dense<0x7F800000> : vector<256xf32>
    %reduce_min3A_113 = vector.multi_reduction <minimumf>, %slice3A_111, %reduce_min3A_112 [1] : vector<256x128xf32> to vector<256xf32>
    %broadcast_in_dim3A_114 = vector.shape_cast %reduce_min3A_113 : vector<256xf32> to vector<256x1xf32>
    %slice3A_115 = vector.extract_strided_slice %add3A_15 {offsets = [0, 3200], sizes = [256, 128], strides = [1, 1]} : vector<256x4096xf32> to vector<256x128xf32>
    %reduce_min3A_116 = arith.constant dense<0x7F800000> : vector<256xf32>
    %reduce_min3A_117 = vector.multi_reduction <minimumf>, %slice3A_115, %reduce_min3A_116 [1] : vector<256x128xf32> to vector<256xf32>
    %broadcast_in_dim3A_118 = vector.shape_cast %reduce_min3A_117 : vector<256xf32> to vector<256x1xf32>
    %slice3A_119 = vector.extract_strided_slice %add3A_15 {offsets = [0, 3328], sizes = [256, 128], strides = [1, 1]} : vector<256x4096xf32> to vector<256x128xf32>
    %reduce_min3A_120 = arith.constant dense<0x7F800000> : vector<256xf32>
    %reduce_min3A_121 = vector.multi_reduction <minimumf>, %slice3A_119, %reduce_min3A_120 [1] : vector<256x128xf32> to vector<256xf32>
    %broadcast_in_dim3A_122 = vector.shape_cast %reduce_min3A_121 : vector<256xf32> to vector<256x1xf32>
    %slice3A_123 = vector.extract_strided_slice %add3A_15 {offsets = [0, 3456], sizes = [256, 128], strides = [1, 1]} : vector<256x4096xf32> to vector<256x128xf32>
    %reduce_min3A_124 = arith.constant dense<0x7F800000> : vector<256xf32>
    %reduce_min3A_125 = vector.multi_reduction <minimumf>, %slice3A_123, %reduce_min3A_124 [1] : vector<256x128xf32> to vector<256xf32>
    %broadcast_in_dim3A_126 = vector.shape_cast %reduce_min3A_125 : vector<256xf32> to vector<256x1xf32>
    %slice3A_127 = vector.extract_strided_slice %add3A_15 {offsets = [0, 3584], sizes = [256, 128], strides = [1, 1]} : vector<256x4096xf32> to vector<256x128xf32>
    %reduce_min3A_128 = arith.constant dense<0x7F800000> : vector<256xf32>
    %reduce_min3A_129 = vector.multi_reduction <minimumf>, %slice3A_127, %reduce_min3A_128 [1] : vector<256x128xf32> to vector<256xf32>
    %broadcast_in_dim3A_130 = vector.shape_cast %reduce_min3A_129 : vector<256xf32> to vector<256x1xf32>
    %slice3A_131 = vector.extract_strided_slice %add3A_15 {offsets = [0, 3712], sizes = [256, 128], strides = [1, 1]} : vector<256x4096xf32> to vector<256x128xf32>
    %reduce_min3A_132 = arith.constant dense<0x7F800000> : vector<256xf32>
    %reduce_min3A_133 = vector.multi_reduction <minimumf>, %slice3A_131, %reduce_min3A_132 [1] : vector<256x128xf32> to vector<256xf32>
    %broadcast_in_dim3A_134 = vector.shape_cast %reduce_min3A_133 : vector<256xf32> to vector<256x1xf32>
    %slice3A_135 = vector.extract_strided_slice %add3A_15 {offsets = [0, 3840], sizes = [256, 128], strides = [1, 1]} : vector<256x4096xf32> to vector<256x128xf32>
    %reduce_min3A_136 = arith.constant dense<0x7F800000> : vector<256xf32>
    %reduce_min3A_137 = vector.multi_reduction <minimumf>, %slice3A_135, %reduce_min3A_136 [1] : vector<256x128xf32> to vector<256xf32>
    %broadcast_in_dim3A_138 = vector.shape_cast %reduce_min3A_137 : vector<256xf32> to vector<256x1xf32>
    %slice3A_139 = vector.extract_strided_slice %add3A_15 {offsets = [0, 3968], sizes = [256, 128], strides = [1, 1]} : vector<256x4096xf32> to vector<256x128xf32>
    %reduce_min3A_140 = arith.constant dense<0x7F800000> : vector<256xf32>
    %reduce_min3A_141 = vector.multi_reduction <minimumf>, %slice3A_139, %reduce_min3A_140 [1] : vector<256x128xf32> to vector<256xf32>
    %broadcast_in_dim3A_142 = vector.shape_cast %reduce_min3A_141 : vector<256xf32> to vector<256x1xf32>
    %concatenate3A = tpu.concatenate %broadcast_in_dim3A, %broadcast_in_dim3A_22, %broadcast_in_dim3A_26, %broadcast_in_dim3A_30, %broadcast_in_dim3A_34, %broadcast_in_dim3A_38, %broadcast_in_dim3A_42, %broadcast_in_dim3A_46, %broadcast_in_dim3A_50, %broadcast_in_dim3A_54, %broadcast_in_dim3A_58, %broadcast_in_dim3A_62, %broadcast_in_dim3A_66, %broadcast_in_dim3A_70, %broadcast_in_dim3A_74, %broadcast_in_dim3A_78, %broadcast_in_dim3A_82, %broadcast_in_dim3A_86, %broadcast_in_dim3A_90, %broadcast_in_dim3A_94, %broadcast_in_dim3A_98, %broadcast_in_dim3A_102, %broadcast_in_dim3A_106, %broadcast_in_dim3A_110, %broadcast_in_dim3A_114, %broadcast_in_dim3A_118, %broadcast_in_dim3A_122, %broadcast_in_dim3A_126, %broadcast_in_dim3A_130, %broadcast_in_dim3A_134, %broadcast_in_dim3A_138, %broadcast_in_dim3A_142 in 1 : vector<256x1xf32>, vector<256x1xf32>, vector<256x1xf32>, vector<256x1xf32>, vector<256x1xf32>, vector<256x1xf32>, vector<256x1xf32>, vector<256x1xf32>, vector<256x1xf32>, vector<256x1xf32>, vector<256x1xf32>, vector<256x1xf32>, vector<256x1xf32>, vector<256x1xf32>, vector<256x1xf32>, vector<256x1xf32>, vector<256x1xf32>, vector<256x1xf32>, vector<256x1xf32>, vector<256x1xf32>, vector<256x1xf32>, vector<256x1xf32>, vector<256x1xf32>, vector<256x1xf32>, vector<256x1xf32>, vector<256x1xf32>, vector<256x1xf32>, vector<256x1xf32>, vector<256x1xf32>, vector<256x1xf32>, vector<256x1xf32>, vector<256x1xf32> -> vector<256x32xf32>
    %transpose3A = tpu.transpose %concatenate3A, [1, 0] : vector<256x32xf32> -> vector<32x256xf32>
    %swap3A_143 = arith.constant 0 : index
    %swap3A_144 = arith.constant 0 : index
    %swap3A_145 = vector.load %arg7[%swap3A_143, %swap3A_144] : memref<32x256xf32, #tpu.memory_space<vmem>>, vector<32x256xf32>
    tpu.vector_store %arg7[%swap3A_143, %swap3A_144], %transpose3A {strides = array<i32>} : memref<32x256xf32, #tpu.memory_space<vmem>>, vector<32x256xf32>,
    return
  }
  func.func @transform_0(%arg0: i32, %arg1: i32) -> (i32, i32) {
    %c0_i32 = arith.constant 0 : i32
    %c0_i32_0 = arith.constant 0 : i32
    return %arg0, %c0_i32 : i32, i32
  }
  func.func @transform_1(%arg0: i32, %arg1: i32) -> (i32, i32) {
    %c0_i32 = arith.constant 0 : i32
    %c0_i32_0 = arith.constant 0 : i32
    return %arg0, %c0_i32 : i32, i32
  }
  func.func @transform_2(%arg0: i32, %arg1: i32) -> (i32, i32) {
    %c0_i32 = arith.constant 0 : i32
    %c0_i32_0 = arith.constant 0 : i32
    return %arg1, %c0_i32 : i32, i32
  }
  func.func @transform_3(%arg0: i32, %arg1: i32) -> (i32, i32) {
    %c0_i32 = arith.constant 0 : i32
    %c0_i32_0 = arith.constant 0 : i32
    return %c0_i32, %arg1 : i32, i32
  }
  func.func @transform_4(%arg0: i32, %arg1: i32) -> (i32, i32) {
    %c0_i32 = arith.constant 0 : i32
    return %arg0, %arg1 : i32, i32
  }
  func.func @transform_5(%arg0: i32, %arg1: i32) -> (i32, i32) {
    %c0_i32 = arith.constant 0 : i32
    return %arg1, %arg0 : i32, i32
  }
}

module attributes {stable_mosaic.version = 14 : i64} {
  func.func @_gtopk_body(%arg0: i32, %arg1: memref<800x256xf32, #tpu.memory_space<vmem>>, %arg2: memref<32x256xi32, #tpu.memory_space<vmem>>, %arg3: memref<32x256xi32, #tpu.memory_space<vmem>>) attributes {dimension_semantics = [#tpu.dimension_semantics<parallel>], iteration_bounds = array<i64: 4>, scalar_prefetch = 0 : i64, scratch_operands = 0 : i64, tpu.core_type = #tpu.core_type<tc>, window_params = [{transform_indices = @transform_0, window_bounds = array<i64: 800, 256>}, {transform_indices = @transform_1, window_bounds = array<i64: 32, 256>}, {transform_indices = @transform_2, window_bounds = array<i64: 32, 256>}]} {
    %get3A = arith.constant 0 : index
    %get3A_0 = arith.constant 0 : index
    %get3A_1 = vector.load %arg1[%get3A, %get3A_0] : memref<800x256xf32, #tpu.memory_space<vmem>>, vector<800x256xf32>
    %iota3A = tpu.iota {dimensions = array<i32: 0>} : vector<800x256xi32>
    %iota3A_2 = tpu.iota {dimensions = array<i32: 0>} : vector<32x256xi32>
    %iota3A_3 = tpu.iota {dimensions = array<i32: 1>} : vector<1x256xi32>
    %mul3A = arith.constant 256 : i32
    %mul3A_4 = arith.muli %arg0, %mul3A : i32
    %add3A = vector.broadcast %mul3A_4 : i32 to vector<1x256xi32>
    %add3A_5 = arith.addi %iota3A_3, %add3A : vector<1x256xi32>
    %broadcast_in_dim3A = arith.constant 0 : i32
    %broadcast_in_dim3A_6 = vector.broadcast %broadcast_in_dim3A : i32 to vector<32x256xi32>
    %scan3A = arith.constant 1073741824 : i32
    %scan3A_7 = arith.constant 0 : i32
    %scan3A_8 = arith.constant 32 : i32
    %scan3A_9 = arith.addi %scan3A_7, %scan3A_8 : i32
    %scan3A_10 = arith.constant 8 : i32
    %scan3A_11:3 = scf.for %scan3A_18 = %scan3A_7 to %scan3A_9 step %scan3A_10 iter_args(%scan3A_19 = %get3A_1, %scan3A_20 = %broadcast_in_dim3A_6, %scan3A_21 = %broadcast_in_dim3A_6) -> (vector<800x256xf32>, vector<32x256xi32>, vector<32x256xi32>)  : i32 {
      %reduce_min3A = arith.constant dense<0x7F800000> : vector<256xf32>
      %reduce_min3A_22 = vector.multi_reduction <minimumf>, %scan3A_19, %reduce_min3A [0] : vector<800x256xf32> to vector<256xf32>
      %broadcast_in_dim3A_23 = vector.shape_cast %reduce_min3A_22 : vector<256xf32> to vector<1x256xf32>
      %le3A = vector.broadcast %broadcast_in_dim3A_23 : vector<1x256xf32> to vector<800x256xf32>
      %le3A_24 = arith.cmpf ole, %scan3A_19, %le3A : vector<800x256xf32>
      %broadcast_in_dim3A_25 = vector.broadcast %scan3A : i32 to vector<800x256xi32>
      %select_n3A = arith.select %le3A_24, %iota3A, %broadcast_in_dim3A_25 : vector<800x256xi1>, vector<800x256xi32>
      %reduce_min3A_26 = arith.constant dense<2147483647> : vector<256xi32>
      %reduce_min3A_27 = vector.multi_reduction <minsi>, %select_n3A, %reduce_min3A_26 [0] : vector<800x256xi32> to vector<256xi32>
      %broadcast_in_dim3A_28 = vector.shape_cast %reduce_min3A_27 : vector<256xi32> to vector<1x256xi32>
      %eq3A = vector.broadcast %scan3A_18 : i32 to vector<32x256xi32>
      %eq3A_29 = arith.cmpi eq, %iota3A_2, %eq3A : vector<32x256xi32>
      %broadcast_in_dim3A_30 = vector.shape_cast %broadcast_in_dim3A_28 : vector<1x256xi32> to vector<1x256xi32>
      %broadcast_in_dim3A_31 = vector.broadcast %broadcast_in_dim3A_30 : vector<1x256xi32> to vector<32x256xi32>
      %select_n3A_32 = arith.select %eq3A_29, %broadcast_in_dim3A_31, %scan3A_20 : vector<32x256xi1>, vector<32x256xi32>
      %mul3A_33 = arith.constant 800 : i32
      %mul3A_34 = vector.broadcast %mul3A_33 : i32 to vector<1x256xi32>
      %mul3A_35 = arith.muli %add3A_5, %mul3A_34 : vector<1x256xi32>
      %add3A_36 = arith.addi %broadcast_in_dim3A_28, %mul3A_35 : vector<1x256xi32>
      %broadcast_in_dim3A_37 = vector.shape_cast %add3A_36 : vector<1x256xi32> to vector<1x256xi32>
      %broadcast_in_dim3A_38 = vector.broadcast %broadcast_in_dim3A_37 : vector<1x256xi32> to vector<32x256xi32>
      %select_n3A_39 = arith.select %eq3A_29, %broadcast_in_dim3A_38, %scan3A_21 : vector<32x256xi1>, vector<32x256xi32>
      %eq3A_40 = vector.broadcast %broadcast_in_dim3A_28 : vector<1x256xi32> to vector<800x256xi32>
      %eq3A_41 = arith.cmpi eq, %iota3A, %eq3A_40 : vector<800x256xi32>
      %jit3A = arith.constant 0x7F800000 : f32
      %broadcast_in_dim3A_42 = vector.broadcast %jit3A : f32 to vector<800x256xf32>
      %select_n3A_43 = arith.select %eq3A_41, %broadcast_in_dim3A_42, %scan3A_19 : vector<800x256xi1>, vector<800x256xf32>
      %scan3A_44 = arith.constant 1 : i32
      %scan3A_45 = arith.addi %scan3A_18, %scan3A_44 : i32
      %reduce_min3A_46 = arith.constant dense<0x7F800000> : vector<256xf32>
      %reduce_min3A_47 = vector.multi_reduction <minimumf>, %select_n3A_43, %reduce_min3A_46 [0] : vector<800x256xf32> to vector<256xf32>
      %broadcast_in_dim3A_48 = vector.shape_cast %reduce_min3A_47 : vector<256xf32> to vector<1x256xf32>
      %le3A_49 = vector.broadcast %broadcast_in_dim3A_48 : vector<1x256xf32> to vector<800x256xf32>
      %le3A_50 = arith.cmpf ole, %select_n3A_43, %le3A_49 : vector<800x256xf32>
      %broadcast_in_dim3A_51 = vector.broadcast %scan3A : i32 to vector<800x256xi32>
      %select_n3A_52 = arith.select %le3A_50, %iota3A, %broadcast_in_dim3A_51 : vector<800x256xi1>, vector<800x256xi32>
      %reduce_min3A_53 = arith.constant dense<2147483647> : vector<256xi32>
      %reduce_min3A_54 = vector.multi_reduction <minsi>, %select_n3A_52, %reduce_min3A_53 [0] : vector<800x256xi32> to vector<256xi32>
      %broadcast_in_dim3A_55 = vector.shape_cast %reduce_min3A_54 : vector<256xi32> to vector<1x256xi32>
      %eq3A_56 = vector.broadcast %scan3A_45 : i32 to vector<32x256xi32>
      %eq3A_57 = arith.cmpi eq, %iota3A_2, %eq3A_56 : vector<32x256xi32>
      %broadcast_in_dim3A_58 = vector.shape_cast %broadcast_in_dim3A_55 : vector<1x256xi32> to vector<1x256xi32>
      %broadcast_in_dim3A_59 = vector.broadcast %broadcast_in_dim3A_58 : vector<1x256xi32> to vector<32x256xi32>
      %select_n3A_60 = arith.select %eq3A_57, %broadcast_in_dim3A_59, %select_n3A_32 : vector<32x256xi1>, vector<32x256xi32>
      %mul3A_61 = arith.constant 800 : i32
      %mul3A_62 = vector.broadcast %mul3A_61 : i32 to vector<1x256xi32>
      %mul3A_63 = arith.muli %add3A_5, %mul3A_62 : vector<1x256xi32>
      %add3A_64 = arith.addi %broadcast_in_dim3A_55, %mul3A_63 : vector<1x256xi32>
      %broadcast_in_dim3A_65 = vector.shape_cast %add3A_64 : vector<1x256xi32> to vector<1x256xi32>
      %broadcast_in_dim3A_66 = vector.broadcast %broadcast_in_dim3A_65 : vector<1x256xi32> to vector<32x256xi32>
      %select_n3A_67 = arith.select %eq3A_57, %broadcast_in_dim3A_66, %select_n3A_39 : vector<32x256xi1>, vector<32x256xi32>
      %eq3A_68 = vector.broadcast %broadcast_in_dim3A_55 : vector<1x256xi32> to vector<800x256xi32>
      %eq3A_69 = arith.cmpi eq, %iota3A, %eq3A_68 : vector<800x256xi32>
      %jit3A_70 = arith.constant 0x7F800000 : f32
      %broadcast_in_dim3A_71 = vector.broadcast %jit3A_70 : f32 to vector<800x256xf32>
      %select_n3A_72 = arith.select %eq3A_69, %broadcast_in_dim3A_71, %select_n3A_43 : vector<800x256xi1>, vector<800x256xf32>
      %scan3A_73 = arith.constant 2 : i32
      %scan3A_74 = arith.addi %scan3A_18, %scan3A_73 : i32
      %reduce_min3A_75 = arith.constant dense<0x7F800000> : vector<256xf32>
      %reduce_min3A_76 = vector.multi_reduction <minimumf>, %select_n3A_72, %reduce_min3A_75 [0] : vector<800x256xf32> to vector<256xf32>
      %broadcast_in_dim3A_77 = vector.shape_cast %reduce_min3A_76 : vector<256xf32> to vector<1x256xf32>
      %le3A_78 = vector.broadcast %broadcast_in_dim3A_77 : vector<1x256xf32> to vector<800x256xf32>
      %le3A_79 = arith.cmpf ole, %select_n3A_72, %le3A_78 : vector<800x256xf32>
      %broadcast_in_dim3A_80 = vector.broadcast %scan3A : i32 to vector<800x256xi32>
      %select_n3A_81 = arith.select %le3A_79, %iota3A, %broadcast_in_dim3A_80 : vector<800x256xi1>, vector<800x256xi32>
      %reduce_min3A_82 = arith.constant dense<2147483647> : vector<256xi32>
      %reduce_min3A_83 = vector.multi_reduction <minsi>, %select_n3A_81, %reduce_min3A_82 [0] : vector<800x256xi32> to vector<256xi32>
      %broadcast_in_dim3A_84 = vector.shape_cast %reduce_min3A_83 : vector<256xi32> to vector<1x256xi32>
      %eq3A_85 = vector.broadcast %scan3A_74 : i32 to vector<32x256xi32>
      %eq3A_86 = arith.cmpi eq, %iota3A_2, %eq3A_85 : vector<32x256xi32>
      %broadcast_in_dim3A_87 = vector.shape_cast %broadcast_in_dim3A_84 : vector<1x256xi32> to vector<1x256xi32>
      %broadcast_in_dim3A_88 = vector.broadcast %broadcast_in_dim3A_87 : vector<1x256xi32> to vector<32x256xi32>
      %select_n3A_89 = arith.select %eq3A_86, %broadcast_in_dim3A_88, %select_n3A_60 : vector<32x256xi1>, vector<32x256xi32>
      %mul3A_90 = arith.constant 800 : i32
      %mul3A_91 = vector.broadcast %mul3A_90 : i32 to vector<1x256xi32>
      %mul3A_92 = arith.muli %add3A_5, %mul3A_91 : vector<1x256xi32>
      %add3A_93 = arith.addi %broadcast_in_dim3A_84, %mul3A_92 : vector<1x256xi32>
      %broadcast_in_dim3A_94 = vector.shape_cast %add3A_93 : vector<1x256xi32> to vector<1x256xi32>
      %broadcast_in_dim3A_95 = vector.broadcast %broadcast_in_dim3A_94 : vector<1x256xi32> to vector<32x256xi32>
      %select_n3A_96 = arith.select %eq3A_86, %broadcast_in_dim3A_95, %select_n3A_67 : vector<32x256xi1>, vector<32x256xi32>
      %eq3A_97 = vector.broadcast %broadcast_in_dim3A_84 : vector<1x256xi32> to vector<800x256xi32>
      %eq3A_98 = arith.cmpi eq, %iota3A, %eq3A_97 : vector<800x256xi32>
      %jit3A_99 = arith.constant 0x7F800000 : f32
      %broadcast_in_dim3A_100 = vector.broadcast %jit3A_99 : f32 to vector<800x256xf32>
      %select_n3A_101 = arith.select %eq3A_98, %broadcast_in_dim3A_100, %select_n3A_72 : vector<800x256xi1>, vector<800x256xf32>
      %scan3A_102 = arith.constant 3 : i32
      %scan3A_103 = arith.addi %scan3A_18, %scan3A_102 : i32
      %reduce_min3A_104 = arith.constant dense<0x7F800000> : vector<256xf32>
      %reduce_min3A_105 = vector.multi_reduction <minimumf>, %select_n3A_101, %reduce_min3A_104 [0] : vector<800x256xf32> to vector<256xf32>
      %broadcast_in_dim3A_106 = vector.shape_cast %reduce_min3A_105 : vector<256xf32> to vector<1x256xf32>
      %le3A_107 = vector.broadcast %broadcast_in_dim3A_106 : vector<1x256xf32> to vector<800x256xf32>
      %le3A_108 = arith.cmpf ole, %select_n3A_101, %le3A_107 : vector<800x256xf32>
      %broadcast_in_dim3A_109 = vector.broadcast %scan3A : i32 to vector<800x256xi32>
      %select_n3A_110 = arith.select %le3A_108, %iota3A, %broadcast_in_dim3A_109 : vector<800x256xi1>, vector<800x256xi32>
      %reduce_min3A_111 = arith.constant dense<2147483647> : vector<256xi32>
      %reduce_min3A_112 = vector.multi_reduction <minsi>, %select_n3A_110, %reduce_min3A_111 [0] : vector<800x256xi32> to vector<256xi32>
      %broadcast_in_dim3A_113 = vector.shape_cast %reduce_min3A_112 : vector<256xi32> to vector<1x256xi32>
      %eq3A_114 = vector.broadcast %scan3A_103 : i32 to vector<32x256xi32>
      %eq3A_115 = arith.cmpi eq, %iota3A_2, %eq3A_114 : vector<32x256xi32>
      %broadcast_in_dim3A_116 = vector.shape_cast %broadcast_in_dim3A_113 : vector<1x256xi32> to vector<1x256xi32>
      %broadcast_in_dim3A_117 = vector.broadcast %broadcast_in_dim3A_116 : vector<1x256xi32> to vector<32x256xi32>
      %select_n3A_118 = arith.select %eq3A_115, %broadcast_in_dim3A_117, %select_n3A_89 : vector<32x256xi1>, vector<32x256xi32>
      %mul3A_119 = arith.constant 800 : i32
      %mul3A_120 = vector.broadcast %mul3A_119 : i32 to vector<1x256xi32>
      %mul3A_121 = arith.muli %add3A_5, %mul3A_120 : vector<1x256xi32>
      %add3A_122 = arith.addi %broadcast_in_dim3A_113, %mul3A_121 : vector<1x256xi32>
      %broadcast_in_dim3A_123 = vector.shape_cast %add3A_122 : vector<1x256xi32> to vector<1x256xi32>
      %broadcast_in_dim3A_124 = vector.broadcast %broadcast_in_dim3A_123 : vector<1x256xi32> to vector<32x256xi32>
      %select_n3A_125 = arith.select %eq3A_115, %broadcast_in_dim3A_124, %select_n3A_96 : vector<32x256xi1>, vector<32x256xi32>
      %eq3A_126 = vector.broadcast %broadcast_in_dim3A_113 : vector<1x256xi32> to vector<800x256xi32>
      %eq3A_127 = arith.cmpi eq, %iota3A, %eq3A_126 : vector<800x256xi32>
      %jit3A_128 = arith.constant 0x7F800000 : f32
      %broadcast_in_dim3A_129 = vector.broadcast %jit3A_128 : f32 to vector<800x256xf32>
      %select_n3A_130 = arith.select %eq3A_127, %broadcast_in_dim3A_129, %select_n3A_101 : vector<800x256xi1>, vector<800x256xf32>
      %scan3A_131 = arith.constant 4 : i32
      %scan3A_132 = arith.addi %scan3A_18, %scan3A_131 : i32
      %reduce_min3A_133 = arith.constant dense<0x7F800000> : vector<256xf32>
      %reduce_min3A_134 = vector.multi_reduction <minimumf>, %select_n3A_130, %reduce_min3A_133 [0] : vector<800x256xf32> to vector<256xf32>
      %broadcast_in_dim3A_135 = vector.shape_cast %reduce_min3A_134 : vector<256xf32> to vector<1x256xf32>
      %le3A_136 = vector.broadcast %broadcast_in_dim3A_135 : vector<1x256xf32> to vector<800x256xf32>
      %le3A_137 = arith.cmpf ole, %select_n3A_130, %le3A_136 : vector<800x256xf32>
      %broadcast_in_dim3A_138 = vector.broadcast %scan3A : i32 to vector<800x256xi32>
      %select_n3A_139 = arith.select %le3A_137, %iota3A, %broadcast_in_dim3A_138 : vector<800x256xi1>, vector<800x256xi32>
      %reduce_min3A_140 = arith.constant dense<2147483647> : vector<256xi32>
      %reduce_min3A_141 = vector.multi_reduction <minsi>, %select_n3A_139, %reduce_min3A_140 [0] : vector<800x256xi32> to vector<256xi32>
      %broadcast_in_dim3A_142 = vector.shape_cast %reduce_min3A_141 : vector<256xi32> to vector<1x256xi32>
      %eq3A_143 = vector.broadcast %scan3A_132 : i32 to vector<32x256xi32>
      %eq3A_144 = arith.cmpi eq, %iota3A_2, %eq3A_143 : vector<32x256xi32>
      %broadcast_in_dim3A_145 = vector.shape_cast %broadcast_in_dim3A_142 : vector<1x256xi32> to vector<1x256xi32>
      %broadcast_in_dim3A_146 = vector.broadcast %broadcast_in_dim3A_145 : vector<1x256xi32> to vector<32x256xi32>
      %select_n3A_147 = arith.select %eq3A_144, %broadcast_in_dim3A_146, %select_n3A_118 : vector<32x256xi1>, vector<32x256xi32>
      %mul3A_148 = arith.constant 800 : i32
      %mul3A_149 = vector.broadcast %mul3A_148 : i32 to vector<1x256xi32>
      %mul3A_150 = arith.muli %add3A_5, %mul3A_149 : vector<1x256xi32>
      %add3A_151 = arith.addi %broadcast_in_dim3A_142, %mul3A_150 : vector<1x256xi32>
      %broadcast_in_dim3A_152 = vector.shape_cast %add3A_151 : vector<1x256xi32> to vector<1x256xi32>
      %broadcast_in_dim3A_153 = vector.broadcast %broadcast_in_dim3A_152 : vector<1x256xi32> to vector<32x256xi32>
      %select_n3A_154 = arith.select %eq3A_144, %broadcast_in_dim3A_153, %select_n3A_125 : vector<32x256xi1>, vector<32x256xi32>
      %eq3A_155 = vector.broadcast %broadcast_in_dim3A_142 : vector<1x256xi32> to vector<800x256xi32>
      %eq3A_156 = arith.cmpi eq, %iota3A, %eq3A_155 : vector<800x256xi32>
      %jit3A_157 = arith.constant 0x7F800000 : f32
      %broadcast_in_dim3A_158 = vector.broadcast %jit3A_157 : f32 to vector<800x256xf32>
      %select_n3A_159 = arith.select %eq3A_156, %broadcast_in_dim3A_158, %select_n3A_130 : vector<800x256xi1>, vector<800x256xf32>
      %scan3A_160 = arith.constant 5 : i32
      %scan3A_161 = arith.addi %scan3A_18, %scan3A_160 : i32
      %reduce_min3A_162 = arith.constant dense<0x7F800000> : vector<256xf32>
      %reduce_min3A_163 = vector.multi_reduction <minimumf>, %select_n3A_159, %reduce_min3A_162 [0] : vector<800x256xf32> to vector<256xf32>
      %broadcast_in_dim3A_164 = vector.shape_cast %reduce_min3A_163 : vector<256xf32> to vector<1x256xf32>
      %le3A_165 = vector.broadcast %broadcast_in_dim3A_164 : vector<1x256xf32> to vector<800x256xf32>
      %le3A_166 = arith.cmpf ole, %select_n3A_159, %le3A_165 : vector<800x256xf32>
      %broadcast_in_dim3A_167 = vector.broadcast %scan3A : i32 to vector<800x256xi32>
      %select_n3A_168 = arith.select %le3A_166, %iota3A, %broadcast_in_dim3A_167 : vector<800x256xi1>, vector<800x256xi32>
      %reduce_min3A_169 = arith.constant dense<2147483647> : vector<256xi32>
      %reduce_min3A_170 = vector.multi_reduction <minsi>, %select_n3A_168, %reduce_min3A_169 [0] : vector<800x256xi32> to vector<256xi32>
      %broadcast_in_dim3A_171 = vector.shape_cast %reduce_min3A_170 : vector<256xi32> to vector<1x256xi32>
      %eq3A_172 = vector.broadcast %scan3A_161 : i32 to vector<32x256xi32>
      %eq3A_173 = arith.cmpi eq, %iota3A_2, %eq3A_172 : vector<32x256xi32>
      %broadcast_in_dim3A_174 = vector.shape_cast %broadcast_in_dim3A_171 : vector<1x256xi32> to vector<1x256xi32>
      %broadcast_in_dim3A_175 = vector.broadcast %broadcast_in_dim3A_174 : vector<1x256xi32> to vector<32x256xi32>
      %select_n3A_176 = arith.select %eq3A_173, %broadcast_in_dim3A_175, %select_n3A_147 : vector<32x256xi1>, vector<32x256xi32>
      %mul3A_177 = arith.constant 800 : i32
      %mul3A_178 = vector.broadcast %mul3A_177 : i32 to vector<1x256xi32>
      %mul3A_179 = arith.muli %add3A_5, %mul3A_178 : vector<1x256xi32>
      %add3A_180 = arith.addi %broadcast_in_dim3A_171, %mul3A_179 : vector<1x256xi32>
      %broadcast_in_dim3A_181 = vector.shape_cast %add3A_180 : vector<1x256xi32> to vector<1x256xi32>
      %broadcast_in_dim3A_182 = vector.broadcast %broadcast_in_dim3A_181 : vector<1x256xi32> to vector<32x256xi32>
      %select_n3A_183 = arith.select %eq3A_173, %broadcast_in_dim3A_182, %select_n3A_154 : vector<32x256xi1>, vector<32x256xi32>
      %eq3A_184 = vector.broadcast %broadcast_in_dim3A_171 : vector<1x256xi32> to vector<800x256xi32>
      %eq3A_185 = arith.cmpi eq, %iota3A, %eq3A_184 : vector<800x256xi32>
      %jit3A_186 = arith.constant 0x7F800000 : f32
      %broadcast_in_dim3A_187 = vector.broadcast %jit3A_186 : f32 to vector<800x256xf32>
      %select_n3A_188 = arith.select %eq3A_185, %broadcast_in_dim3A_187, %select_n3A_159 : vector<800x256xi1>, vector<800x256xf32>
      %scan3A_189 = arith.constant 6 : i32
      %scan3A_190 = arith.addi %scan3A_18, %scan3A_189 : i32
      %reduce_min3A_191 = arith.constant dense<0x7F800000> : vector<256xf32>
      %reduce_min3A_192 = vector.multi_reduction <minimumf>, %select_n3A_188, %reduce_min3A_191 [0] : vector<800x256xf32> to vector<256xf32>
      %broadcast_in_dim3A_193 = vector.shape_cast %reduce_min3A_192 : vector<256xf32> to vector<1x256xf32>
      %le3A_194 = vector.broadcast %broadcast_in_dim3A_193 : vector<1x256xf32> to vector<800x256xf32>
      %le3A_195 = arith.cmpf ole, %select_n3A_188, %le3A_194 : vector<800x256xf32>
      %broadcast_in_dim3A_196 = vector.broadcast %scan3A : i32 to vector<800x256xi32>
      %select_n3A_197 = arith.select %le3A_195, %iota3A, %broadcast_in_dim3A_196 : vector<800x256xi1>, vector<800x256xi32>
      %reduce_min3A_198 = arith.constant dense<2147483647> : vector<256xi32>
      %reduce_min3A_199 = vector.multi_reduction <minsi>, %select_n3A_197, %reduce_min3A_198 [0] : vector<800x256xi32> to vector<256xi32>
      %broadcast_in_dim3A_200 = vector.shape_cast %reduce_min3A_199 : vector<256xi32> to vector<1x256xi32>
      %eq3A_201 = vector.broadcast %scan3A_190 : i32 to vector<32x256xi32>
      %eq3A_202 = arith.cmpi eq, %iota3A_2, %eq3A_201 : vector<32x256xi32>
      %broadcast_in_dim3A_203 = vector.shape_cast %broadcast_in_dim3A_200 : vector<1x256xi32> to vector<1x256xi32>
      %broadcast_in_dim3A_204 = vector.broadcast %broadcast_in_dim3A_203 : vector<1x256xi32> to vector<32x256xi32>
      %select_n3A_205 = arith.select %eq3A_202, %broadcast_in_dim3A_204, %select_n3A_176 : vector<32x256xi1>, vector<32x256xi32>
      %mul3A_206 = arith.constant 800 : i32
      %mul3A_207 = vector.broadcast %mul3A_206 : i32 to vector<1x256xi32>
      %mul3A_208 = arith.muli %add3A_5, %mul3A_207 : vector<1x256xi32>
      %add3A_209 = arith.addi %broadcast_in_dim3A_200, %mul3A_208 : vector<1x256xi32>
      %broadcast_in_dim3A_210 = vector.shape_cast %add3A_209 : vector<1x256xi32> to vector<1x256xi32>
      %broadcast_in_dim3A_211 = vector.broadcast %broadcast_in_dim3A_210 : vector<1x256xi32> to vector<32x256xi32>
      %select_n3A_212 = arith.select %eq3A_202, %broadcast_in_dim3A_211, %select_n3A_183 : vector<32x256xi1>, vector<32x256xi32>
      %eq3A_213 = vector.broadcast %broadcast_in_dim3A_200 : vector<1x256xi32> to vector<800x256xi32>
      %eq3A_214 = arith.cmpi eq, %iota3A, %eq3A_213 : vector<800x256xi32>
      %jit3A_215 = arith.constant 0x7F800000 : f32
      %broadcast_in_dim3A_216 = vector.broadcast %jit3A_215 : f32 to vector<800x256xf32>
      %select_n3A_217 = arith.select %eq3A_214, %broadcast_in_dim3A_216, %select_n3A_188 : vector<800x256xi1>, vector<800x256xf32>
      %scan3A_218 = arith.constant 7 : i32
      %scan3A_219 = arith.addi %scan3A_18, %scan3A_218 : i32
      %reduce_min3A_220 = arith.constant dense<0x7F800000> : vector<256xf32>
      %reduce_min3A_221 = vector.multi_reduction <minimumf>, %select_n3A_217, %reduce_min3A_220 [0] : vector<800x256xf32> to vector<256xf32>
      %broadcast_in_dim3A_222 = vector.shape_cast %reduce_min3A_221 : vector<256xf32> to vector<1x256xf32>
      %le3A_223 = vector.broadcast %broadcast_in_dim3A_222 : vector<1x256xf32> to vector<800x256xf32>
      %le3A_224 = arith.cmpf ole, %select_n3A_217, %le3A_223 : vector<800x256xf32>
      %broadcast_in_dim3A_225 = vector.broadcast %scan3A : i32 to vector<800x256xi32>
      %select_n3A_226 = arith.select %le3A_224, %iota3A, %broadcast_in_dim3A_225 : vector<800x256xi1>, vector<800x256xi32>
      %reduce_min3A_227 = arith.constant dense<2147483647> : vector<256xi32>
      %reduce_min3A_228 = vector.multi_reduction <minsi>, %select_n3A_226, %reduce_min3A_227 [0] : vector<800x256xi32> to vector<256xi32>
      %broadcast_in_dim3A_229 = vector.shape_cast %reduce_min3A_228 : vector<256xi32> to vector<1x256xi32>
      %eq3A_230 = vector.broadcast %scan3A_219 : i32 to vector<32x256xi32>
      %eq3A_231 = arith.cmpi eq, %iota3A_2, %eq3A_230 : vector<32x256xi32>
      %broadcast_in_dim3A_232 = vector.shape_cast %broadcast_in_dim3A_229 : vector<1x256xi32> to vector<1x256xi32>
      %broadcast_in_dim3A_233 = vector.broadcast %broadcast_in_dim3A_232 : vector<1x256xi32> to vector<32x256xi32>
      %select_n3A_234 = arith.select %eq3A_231, %broadcast_in_dim3A_233, %select_n3A_205 : vector<32x256xi1>, vector<32x256xi32>
      %mul3A_235 = arith.constant 800 : i32
      %mul3A_236 = vector.broadcast %mul3A_235 : i32 to vector<1x256xi32>
      %mul3A_237 = arith.muli %add3A_5, %mul3A_236 : vector<1x256xi32>
      %add3A_238 = arith.addi %broadcast_in_dim3A_229, %mul3A_237 : vector<1x256xi32>
      %broadcast_in_dim3A_239 = vector.shape_cast %add3A_238 : vector<1x256xi32> to vector<1x256xi32>
      %broadcast_in_dim3A_240 = vector.broadcast %broadcast_in_dim3A_239 : vector<1x256xi32> to vector<32x256xi32>
      %select_n3A_241 = arith.select %eq3A_231, %broadcast_in_dim3A_240, %select_n3A_212 : vector<32x256xi1>, vector<32x256xi32>
      %eq3A_242 = vector.broadcast %broadcast_in_dim3A_229 : vector<1x256xi32> to vector<800x256xi32>
      %eq3A_243 = arith.cmpi eq, %iota3A, %eq3A_242 : vector<800x256xi32>
      %jit3A_244 = arith.constant 0x7F800000 : f32
      %broadcast_in_dim3A_245 = vector.broadcast %jit3A_244 : f32 to vector<800x256xf32>
      %select_n3A_246 = arith.select %eq3A_243, %broadcast_in_dim3A_245, %select_n3A_217 : vector<800x256xi1>, vector<800x256xf32>
      scf.yield %select_n3A_246, %select_n3A_234, %select_n3A_241 : vector<800x256xf32>, vector<32x256xi32>, vector<32x256xi32>
    }
    %scan3A_12 = arith.constant 32 : i32
    %swap3A = arith.constant 0 : index
    %swap3A_13 = arith.constant 0 : index
    %swap3A_14 = vector.load %arg2[%swap3A, %swap3A_13] : memref<32x256xi32, #tpu.memory_space<vmem>>, vector<32x256xi32>
    tpu.vector_store %arg2[%swap3A, %swap3A_13], %scan3A_11#1 {strides = array<i32>} : memref<32x256xi32, #tpu.memory_space<vmem>>, vector<32x256xi32>,
    %swap3A_15 = arith.constant 0 : index
    %swap3A_16 = arith.constant 0 : index
    %swap3A_17 = vector.load %arg3[%swap3A_15, %swap3A_16] : memref<32x256xi32, #tpu.memory_space<vmem>>, vector<32x256xi32>
    tpu.vector_store %arg3[%swap3A_15, %swap3A_16], %scan3A_11#2 {strides = array<i32>} : memref<32x256xi32, #tpu.memory_space<vmem>>, vector<32x256xi32>,
    return
  }
  func.func @transform_0(%arg0: i32) -> (i32, i32) {
    %c0_i32 = arith.constant 0 : i32
    %c0_i32_0 = arith.constant 0 : i32
    return %c0_i32, %arg0 : i32, i32
  }
  func.func @transform_1(%arg0: i32) -> (i32, i32) {
    %c0_i32 = arith.constant 0 : i32
    %c0_i32_0 = arith.constant 0 : i32
    return %c0_i32, %arg0 : i32, i32
  }
  func.func @transform_2(%arg0: i32) -> (i32, i32) {
    %c0_i32 = arith.constant 0 : i32
    %c0_i32_0 = arith.constant 0 : i32
    return %c0_i32, %arg0 : i32, i32
  }
}

module attributes {stable_mosaic.version = 14 : i64} {
  func.func @_ptopk_body(%arg0: i32, %arg1: memref<256x4096xf32, #tpu.memory_space<vmem>>, %arg2: memref<256x32xi32, #tpu.memory_space<vmem>>, %arg3: memref<256x32xi32, #tpu.memory_space<vmem>>) attributes {dimension_semantics = [#tpu.dimension_semantics<parallel>], iteration_bounds = array<i64: 4>, scalar_prefetch = 0 : i64, scratch_operands = 0 : i64, tpu.core_type = #tpu.core_type<tc>, window_params = [{transform_indices = @transform_0, window_bounds = array<i64: 256, 4096>}, {transform_indices = @transform_1, window_bounds = array<i64: 256, 32>}, {transform_indices = @transform_2, window_bounds = array<i64: 256, 32>}]} {
    %get3A = arith.constant 0 : index
    %get3A_0 = arith.constant 0 : index
    %get3A_1 = vector.load %arg1[%get3A, %get3A_0] : memref<256x4096xf32, #tpu.memory_space<vmem>>, vector<256x4096xf32>
    %get3A_2 = arith.constant 0 : index
    %get3A_3 = arith.constant 0 : index
    %get3A_4 = vector.load %arg2[%get3A_2, %get3A_3] : memref<256x32xi32, #tpu.memory_space<vmem>>, vector<256x32xi32>
    %convert_element_type3A = arith.sitofp %get3A_4 : vector<256x32xi32> to vector<256x32xf32>
    %iota3A = tpu.iota {dimensions = array<i32: 0>} : vector<32x4096xi32>
    %iota3A_5 = tpu.iota {dimensions = array<i32: 1>} : vector<32x4096xi32>
    %jit3A = arith.constant 128 : i32
    %div3A = vector.broadcast %jit3A : i32 to vector<32x4096xi32>
    %div3A_6 = arith.divsi %iota3A_5, %div3A : vector<32x4096xi32>
    %sign3A = arith.constant 0 : i32
    %sign3A_7 = vector.broadcast %sign3A : i32 to vector<32x4096xi32>
    %sign3A_8 = arith.cmpi sgt, %iota3A_5, %sign3A_7 : vector<32x4096xi32>
    %sign3A_9 = arith.extui %sign3A_8 : vector<32x4096xi1> to vector<32x4096xi32>
    %sign3A_10 = arith.constant 0 : i32
    %sign3A_11 = vector.broadcast %sign3A_10 : i32 to vector<32x4096xi32>
    %sign3A_12 = arith.cmpi slt, %iota3A_5, %sign3A_11 : vector<32x4096xi32>
    %sign3A_13 = arith.extui %sign3A_12 : vector<32x4096xi1> to vector<32x4096xi32>
    %sign3A_14 = arith.subi %sign3A_9, %sign3A_13 : vector<32x4096xi32>
    %sign3A_15 = arith.constant 0 : i32
    %sign3A_16 = arith.cmpi sgt, %jit3A, %sign3A_15 : i32
    %sign3A_17 = arith.extui %sign3A_16 : i1 to i32
    %sign3A_18 = arith.constant 0 : i32
    %sign3A_19 = arith.cmpi slt, %jit3A, %sign3A_18 : i32
    %sign3A_20 = arith.extui %sign3A_19 : i1 to i32
    %sign3A_21 = arith.subi %sign3A_17, %sign3A_20 : i32
    %ne3A = vector.broadcast %sign3A_21 : i32 to vector<32x4096xi32>
    %ne3A_22 = arith.cmpi ne, %sign3A_14, %ne3A : vector<32x4096xi32>
    %rem3A = vector.broadcast %jit3A : i32 to vector<32x4096xi32>
    %rem3A_23 = arith.remsi %iota3A_5, %rem3A : vector<32x4096xi32>
    %ne3A_24 = arith.constant 0 : i32
    %ne3A_25 = vector.broadcast %ne3A_24 : i32 to vector<32x4096xi32>
    %ne3A_26 = arith.cmpi ne, %rem3A_23, %ne3A_25 : vector<32x4096xi32>
    %and3A = arith.andi %ne3A_22, %ne3A_26 : vector<32x4096xi1>
    %sub3A = arith.constant 1 : i32
    %sub3A_27 = vector.broadcast %sub3A : i32 to vector<32x4096xi32>
    %sub3A_28 = arith.subi %div3A_6, %sub3A_27 : vector<32x4096xi32>
    %select_n3A = arith.select %and3A, %sub3A_28, %div3A_6 : vector<32x4096xi1>, vector<32x4096xi32>
    %eq3A = arith.cmpi eq, %select_n3A, %iota3A : vector<32x4096xi32>
    %jit3A_29 = arith.constant 1.000000e+00 : f32
    %jit3A_30 = arith.constant 0.000000e+00 : f32
    %broadcast_in_dim3A = vector.broadcast %jit3A_29 : f32 to vector<32x4096xf32>
    %broadcast_in_dim3A_31 = vector.broadcast %jit3A_30 : f32 to vector<32x4096xf32>
    %select_n3A_32 = arith.select %eq3A, %broadcast_in_dim3A, %broadcast_in_dim3A_31 : vector<32x4096xi1>, vector<32x4096xf32>
    %dot_general3A = arith.constant dense<0.000000e+00> : vector<256x4096xf32>
    %dot_general3A_33 = tpu.matmul %convert_element_type3A, %select_n3A_32, %dot_general3A {dimension_numbers = #tpu.dot_dimension_numbers<[1], [0], [0], [1], [0, 0, 1, 1], [], []>, precision = #tpu.contract_precision<fp32>, transpose_lhs_hint = false} : vector<256x32xf32>, vector<32x4096xf32>, vector<256x4096xf32> -> vector<256x4096xf32>
    %add3A = arith.constant 5.000000e-01 : f32
    %add3A_34 = vector.broadcast %add3A : f32 to vector<256x4096xf32>
    %add3A_35 = arith.addf %dot_general3A_33, %add3A_34 : vector<256x4096xf32>
    %convert_element_type3A_36 = arith.fptosi %add3A_35 : vector<256x4096xf32> to vector<256x4096xi32>
    %mul3A = arith.constant 128 : i32
    %mul3A_37 = vector.broadcast %mul3A : i32 to vector<256x4096xi32>
    %mul3A_38 = arith.muli %convert_element_type3A_36, %mul3A_37 : vector<256x4096xi32>
    %iota3A_39 = tpu.iota {dimensions = array<i32: 1>} : vector<256x4096xi32>
    %jit3A_40 = arith.constant 128 : i32
    %eq3A_41 = arith.constant 0 : i32
    %eq3A_42 = arith.cmpi eq, %jit3A_40, %eq3A_41 : i32
    %jit3A_43 = arith.constant 1 : i32
    %select_n3A_44 = arith.select %eq3A_42, %jit3A_43, %jit3A_40 : i32
    %rem3A_45 = vector.broadcast %select_n3A_44 : i32 to vector<256x4096xi32>
    %rem3A_46 = arith.remsi %iota3A_39, %rem3A_45 : vector<256x4096xi32>
    %ne3A_47 = arith.constant 0 : i32
    %ne3A_48 = vector.broadcast %ne3A_47 : i32 to vector<256x4096xi32>
    %ne3A_49 = arith.cmpi ne, %rem3A_46, %ne3A_48 : vector<256x4096xi32>
    %lt3A = arith.constant 0 : i32
    %lt3A_50 = vector.broadcast %lt3A : i32 to vector<256x4096xi32>
    %lt3A_51 = arith.cmpi slt, %rem3A_46, %lt3A_50 : vector<256x4096xi32>
    %lt3A_52 = arith.constant 0 : i32
    %lt3A_53 = arith.cmpi slt, %select_n3A_44, %lt3A_52 : i32
    %ne3A_54 = vector.broadcast %lt3A_53 : i1 to vector<256x4096xi1>
    %ne3A_55 = vector.broadcast %ne3A_54 : vector<256x4096xi1> to vector<256x4096xi1>
    %ne3A_56 = arith.xori %lt3A_51, %ne3A_55 : vector<256x4096xi1>
    %and3A_57 = arith.andi %ne3A_56, %ne3A_49 : vector<256x4096xi1>
    %add3A_58 = vector.broadcast %select_n3A_44 : i32 to vector<256x4096xi32>
    %add3A_59 = arith.addi %rem3A_46, %add3A_58 : vector<256x4096xi32>
    %select_n3A_60 = arith.select %and3A_57, %add3A_59, %rem3A_46 : vector<256x4096xi1>, vector<256x4096xi32>
    %add3A_61 = arith.addi %mul3A_38, %select_n3A_60 : vector<256x4096xi32>
    %iota3A_62 = tpu.iota {dimensions = array<i32: 1>} : vector<256x32xi32>
    %broadcast_in_dim3A_63 = arith.constant 0 : i32
    %broadcast_in_dim3A_64 = vector.broadcast %broadcast_in_dim3A_63 : i32 to vector<256x32xi32>
    %scan3A = arith.constant 1073741824 : i32
    %scan3A_65 = arith.constant 0 : i32
    %scan3A_66 = arith.constant 32 : i32
    %scan3A_67 = arith.addi %scan3A_65, %scan3A_66 : i32
    %scan3A_68 = arith.constant 8 : i32
    %scan3A_69:2 = scf.for %scan3A_73 = %scan3A_65 to %scan3A_67 step %scan3A_68 iter_args(%scan3A_74 = %get3A_1, %scan3A_75 = %broadcast_in_dim3A_64) -> (vector<256x4096xf32>, vector<256x32xi32>)  : i32 {
      %reduce_min3A = arith.constant dense<0x7F800000> : vector<256xf32>
      %reduce_min3A_76 = vector.multi_reduction <minimumf>, %scan3A_74, %reduce_min3A [1] : vector<256x4096xf32> to vector<256xf32>
      %broadcast_in_dim3A_77 = vector.shape_cast %reduce_min3A_76 : vector<256xf32> to vector<256x1xf32>
      %le3A = vector.broadcast %broadcast_in_dim3A_77 : vector<256x1xf32> to vector<256x4096xf32>
      %le3A_78 = arith.cmpf ole, %scan3A_74, %le3A : vector<256x4096xf32>
      %broadcast_in_dim3A_79 = vector.broadcast %scan3A : i32 to vector<256x4096xi32>
      %select_n3A_80 = arith.select %le3A_78, %add3A_61, %broadcast_in_dim3A_79 : vector<256x4096xi1>, vector<256x4096xi32>
      %reduce_min3A_81 = arith.constant dense<2147483647> : vector<256xi32>
      %reduce_min3A_82 = vector.multi_reduction <minsi>, %select_n3A_80, %reduce_min3A_81 [1] : vector<256x4096xi32> to vector<256xi32>
      %broadcast_in_dim3A_83 = vector.shape_cast %reduce_min3A_82 : vector<256xi32> to vector<256x1xi32>
      %eq3A_84 = vector.broadcast %scan3A_73 : i32 to vector<256x32xi32>
      %eq3A_85 = arith.cmpi eq, %iota3A_62, %eq3A_84 : vector<256x32xi32>
      %broadcast_in_dim3A_86 = vector.shape_cast %broadcast_in_dim3A_83 : vector<256x1xi32> to vector<256x1xi32>
      %broadcast_in_dim3A_87 = vector.broadcast %broadcast_in_dim3A_86 : vector<256x1xi32> to vector<256x32xi32>
      %select_n3A_88 = arith.select %eq3A_85, %broadcast_in_dim3A_87, %scan3A_75 : vector<256x32xi1>, vector<256x32xi32>
      %eq3A_89 = vector.broadcast %broadcast_in_dim3A_83 : vector<256x1xi32> to vector<256x4096xi32>
      %eq3A_90 = arith.cmpi eq, %add3A_61, %eq3A_89 : vector<256x4096xi32>
      %jit3A_91 = arith.constant 0x7F800000 : f32
      %broadcast_in_dim3A_92 = vector.broadcast %jit3A_91 : f32 to vector<256x4096xf32>
      %select_n3A_93 = arith.select %eq3A_90, %broadcast_in_dim3A_92, %scan3A_74 : vector<256x4096xi1>, vector<256x4096xf32>
      %scan3A_94 = arith.constant 1 : i32
      %scan3A_95 = arith.addi %scan3A_73, %scan3A_94 : i32
      %reduce_min3A_96 = arith.constant dense<0x7F800000> : vector<256xf32>
      %reduce_min3A_97 = vector.multi_reduction <minimumf>, %select_n3A_93, %reduce_min3A_96 [1] : vector<256x4096xf32> to vector<256xf32>
      %broadcast_in_dim3A_98 = vector.shape_cast %reduce_min3A_97 : vector<256xf32> to vector<256x1xf32>
      %le3A_99 = vector.broadcast %broadcast_in_dim3A_98 : vector<256x1xf32> to vector<256x4096xf32>
      %le3A_100 = arith.cmpf ole, %select_n3A_93, %le3A_99 : vector<256x4096xf32>
      %broadcast_in_dim3A_101 = vector.broadcast %scan3A : i32 to vector<256x4096xi32>
      %select_n3A_102 = arith.select %le3A_100, %add3A_61, %broadcast_in_dim3A_101 : vector<256x4096xi1>, vector<256x4096xi32>
      %reduce_min3A_103 = arith.constant dense<2147483647> : vector<256xi32>
      %reduce_min3A_104 = vector.multi_reduction <minsi>, %select_n3A_102, %reduce_min3A_103 [1] : vector<256x4096xi32> to vector<256xi32>
      %broadcast_in_dim3A_105 = vector.shape_cast %reduce_min3A_104 : vector<256xi32> to vector<256x1xi32>
      %eq3A_106 = vector.broadcast %scan3A_95 : i32 to vector<256x32xi32>
      %eq3A_107 = arith.cmpi eq, %iota3A_62, %eq3A_106 : vector<256x32xi32>
      %broadcast_in_dim3A_108 = vector.shape_cast %broadcast_in_dim3A_105 : vector<256x1xi32> to vector<256x1xi32>
      %broadcast_in_dim3A_109 = vector.broadcast %broadcast_in_dim3A_108 : vector<256x1xi32> to vector<256x32xi32>
      %select_n3A_110 = arith.select %eq3A_107, %broadcast_in_dim3A_109, %select_n3A_88 : vector<256x32xi1>, vector<256x32xi32>
      %eq3A_111 = vector.broadcast %broadcast_in_dim3A_105 : vector<256x1xi32> to vector<256x4096xi32>
      %eq3A_112 = arith.cmpi eq, %add3A_61, %eq3A_111 : vector<256x4096xi32>
      %jit3A_113 = arith.constant 0x7F800000 : f32
      %broadcast_in_dim3A_114 = vector.broadcast %jit3A_113 : f32 to vector<256x4096xf32>
      %select_n3A_115 = arith.select %eq3A_112, %broadcast_in_dim3A_114, %select_n3A_93 : vector<256x4096xi1>, vector<256x4096xf32>
      %scan3A_116 = arith.constant 2 : i32
      %scan3A_117 = arith.addi %scan3A_73, %scan3A_116 : i32
      %reduce_min3A_118 = arith.constant dense<0x7F800000> : vector<256xf32>
      %reduce_min3A_119 = vector.multi_reduction <minimumf>, %select_n3A_115, %reduce_min3A_118 [1] : vector<256x4096xf32> to vector<256xf32>
      %broadcast_in_dim3A_120 = vector.shape_cast %reduce_min3A_119 : vector<256xf32> to vector<256x1xf32>
      %le3A_121 = vector.broadcast %broadcast_in_dim3A_120 : vector<256x1xf32> to vector<256x4096xf32>
      %le3A_122 = arith.cmpf ole, %select_n3A_115, %le3A_121 : vector<256x4096xf32>
      %broadcast_in_dim3A_123 = vector.broadcast %scan3A : i32 to vector<256x4096xi32>
      %select_n3A_124 = arith.select %le3A_122, %add3A_61, %broadcast_in_dim3A_123 : vector<256x4096xi1>, vector<256x4096xi32>
      %reduce_min3A_125 = arith.constant dense<2147483647> : vector<256xi32>
      %reduce_min3A_126 = vector.multi_reduction <minsi>, %select_n3A_124, %reduce_min3A_125 [1] : vector<256x4096xi32> to vector<256xi32>
      %broadcast_in_dim3A_127 = vector.shape_cast %reduce_min3A_126 : vector<256xi32> to vector<256x1xi32>
      %eq3A_128 = vector.broadcast %scan3A_117 : i32 to vector<256x32xi32>
      %eq3A_129 = arith.cmpi eq, %iota3A_62, %eq3A_128 : vector<256x32xi32>
      %broadcast_in_dim3A_130 = vector.shape_cast %broadcast_in_dim3A_127 : vector<256x1xi32> to vector<256x1xi32>
      %broadcast_in_dim3A_131 = vector.broadcast %broadcast_in_dim3A_130 : vector<256x1xi32> to vector<256x32xi32>
      %select_n3A_132 = arith.select %eq3A_129, %broadcast_in_dim3A_131, %select_n3A_110 : vector<256x32xi1>, vector<256x32xi32>
      %eq3A_133 = vector.broadcast %broadcast_in_dim3A_127 : vector<256x1xi32> to vector<256x4096xi32>
      %eq3A_134 = arith.cmpi eq, %add3A_61, %eq3A_133 : vector<256x4096xi32>
      %jit3A_135 = arith.constant 0x7F800000 : f32
      %broadcast_in_dim3A_136 = vector.broadcast %jit3A_135 : f32 to vector<256x4096xf32>
      %select_n3A_137 = arith.select %eq3A_134, %broadcast_in_dim3A_136, %select_n3A_115 : vector<256x4096xi1>, vector<256x4096xf32>
      %scan3A_138 = arith.constant 3 : i32
      %scan3A_139 = arith.addi %scan3A_73, %scan3A_138 : i32
      %reduce_min3A_140 = arith.constant dense<0x7F800000> : vector<256xf32>
      %reduce_min3A_141 = vector.multi_reduction <minimumf>, %select_n3A_137, %reduce_min3A_140 [1] : vector<256x4096xf32> to vector<256xf32>
      %broadcast_in_dim3A_142 = vector.shape_cast %reduce_min3A_141 : vector<256xf32> to vector<256x1xf32>
      %le3A_143 = vector.broadcast %broadcast_in_dim3A_142 : vector<256x1xf32> to vector<256x4096xf32>
      %le3A_144 = arith.cmpf ole, %select_n3A_137, %le3A_143 : vector<256x4096xf32>
      %broadcast_in_dim3A_145 = vector.broadcast %scan3A : i32 to vector<256x4096xi32>
      %select_n3A_146 = arith.select %le3A_144, %add3A_61, %broadcast_in_dim3A_145 : vector<256x4096xi1>, vector<256x4096xi32>
      %reduce_min3A_147 = arith.constant dense<2147483647> : vector<256xi32>
      %reduce_min3A_148 = vector.multi_reduction <minsi>, %select_n3A_146, %reduce_min3A_147 [1] : vector<256x4096xi32> to vector<256xi32>
      %broadcast_in_dim3A_149 = vector.shape_cast %reduce_min3A_148 : vector<256xi32> to vector<256x1xi32>
      %eq3A_150 = vector.broadcast %scan3A_139 : i32 to vector<256x32xi32>
      %eq3A_151 = arith.cmpi eq, %iota3A_62, %eq3A_150 : vector<256x32xi32>
      %broadcast_in_dim3A_152 = vector.shape_cast %broadcast_in_dim3A_149 : vector<256x1xi32> to vector<256x1xi32>
      %broadcast_in_dim3A_153 = vector.broadcast %broadcast_in_dim3A_152 : vector<256x1xi32> to vector<256x32xi32>
      %select_n3A_154 = arith.select %eq3A_151, %broadcast_in_dim3A_153, %select_n3A_132 : vector<256x32xi1>, vector<256x32xi32>
      %eq3A_155 = vector.broadcast %broadcast_in_dim3A_149 : vector<256x1xi32> to vector<256x4096xi32>
      %eq3A_156 = arith.cmpi eq, %add3A_61, %eq3A_155 : vector<256x4096xi32>
      %jit3A_157 = arith.constant 0x7F800000 : f32
      %broadcast_in_dim3A_158 = vector.broadcast %jit3A_157 : f32 to vector<256x4096xf32>
      %select_n3A_159 = arith.select %eq3A_156, %broadcast_in_dim3A_158, %select_n3A_137 : vector<256x4096xi1>, vector<256x4096xf32>
      %scan3A_160 = arith.constant 4 : i32
      %scan3A_161 = arith.addi %scan3A_73, %scan3A_160 : i32
      %reduce_min3A_162 = arith.constant dense<0x7F800000> : vector<256xf32>
      %reduce_min3A_163 = vector.multi_reduction <minimumf>, %select_n3A_159, %reduce_min3A_162 [1] : vector<256x4096xf32> to vector<256xf32>
      %broadcast_in_dim3A_164 = vector.shape_cast %reduce_min3A_163 : vector<256xf32> to vector<256x1xf32>
      %le3A_165 = vector.broadcast %broadcast_in_dim3A_164 : vector<256x1xf32> to vector<256x4096xf32>
      %le3A_166 = arith.cmpf ole, %select_n3A_159, %le3A_165 : vector<256x4096xf32>
      %broadcast_in_dim3A_167 = vector.broadcast %scan3A : i32 to vector<256x4096xi32>
      %select_n3A_168 = arith.select %le3A_166, %add3A_61, %broadcast_in_dim3A_167 : vector<256x4096xi1>, vector<256x4096xi32>
      %reduce_min3A_169 = arith.constant dense<2147483647> : vector<256xi32>
      %reduce_min3A_170 = vector.multi_reduction <minsi>, %select_n3A_168, %reduce_min3A_169 [1] : vector<256x4096xi32> to vector<256xi32>
      %broadcast_in_dim3A_171 = vector.shape_cast %reduce_min3A_170 : vector<256xi32> to vector<256x1xi32>
      %eq3A_172 = vector.broadcast %scan3A_161 : i32 to vector<256x32xi32>
      %eq3A_173 = arith.cmpi eq, %iota3A_62, %eq3A_172 : vector<256x32xi32>
      %broadcast_in_dim3A_174 = vector.shape_cast %broadcast_in_dim3A_171 : vector<256x1xi32> to vector<256x1xi32>
      %broadcast_in_dim3A_175 = vector.broadcast %broadcast_in_dim3A_174 : vector<256x1xi32> to vector<256x32xi32>
      %select_n3A_176 = arith.select %eq3A_173, %broadcast_in_dim3A_175, %select_n3A_154 : vector<256x32xi1>, vector<256x32xi32>
      %eq3A_177 = vector.broadcast %broadcast_in_dim3A_171 : vector<256x1xi32> to vector<256x4096xi32>
      %eq3A_178 = arith.cmpi eq, %add3A_61, %eq3A_177 : vector<256x4096xi32>
      %jit3A_179 = arith.constant 0x7F800000 : f32
      %broadcast_in_dim3A_180 = vector.broadcast %jit3A_179 : f32 to vector<256x4096xf32>
      %select_n3A_181 = arith.select %eq3A_178, %broadcast_in_dim3A_180, %select_n3A_159 : vector<256x4096xi1>, vector<256x4096xf32>
      %scan3A_182 = arith.constant 5 : i32
      %scan3A_183 = arith.addi %scan3A_73, %scan3A_182 : i32
      %reduce_min3A_184 = arith.constant dense<0x7F800000> : vector<256xf32>
      %reduce_min3A_185 = vector.multi_reduction <minimumf>, %select_n3A_181, %reduce_min3A_184 [1] : vector<256x4096xf32> to vector<256xf32>
      %broadcast_in_dim3A_186 = vector.shape_cast %reduce_min3A_185 : vector<256xf32> to vector<256x1xf32>
      %le3A_187 = vector.broadcast %broadcast_in_dim3A_186 : vector<256x1xf32> to vector<256x4096xf32>
      %le3A_188 = arith.cmpf ole, %select_n3A_181, %le3A_187 : vector<256x4096xf32>
      %broadcast_in_dim3A_189 = vector.broadcast %scan3A : i32 to vector<256x4096xi32>
      %select_n3A_190 = arith.select %le3A_188, %add3A_61, %broadcast_in_dim3A_189 : vector<256x4096xi1>, vector<256x4096xi32>
      %reduce_min3A_191 = arith.constant dense<2147483647> : vector<256xi32>
      %reduce_min3A_192 = vector.multi_reduction <minsi>, %select_n3A_190, %reduce_min3A_191 [1] : vector<256x4096xi32> to vector<256xi32>
      %broadcast_in_dim3A_193 = vector.shape_cast %reduce_min3A_192 : vector<256xi32> to vector<256x1xi32>
      %eq3A_194 = vector.broadcast %scan3A_183 : i32 to vector<256x32xi32>
      %eq3A_195 = arith.cmpi eq, %iota3A_62, %eq3A_194 : vector<256x32xi32>
      %broadcast_in_dim3A_196 = vector.shape_cast %broadcast_in_dim3A_193 : vector<256x1xi32> to vector<256x1xi32>
      %broadcast_in_dim3A_197 = vector.broadcast %broadcast_in_dim3A_196 : vector<256x1xi32> to vector<256x32xi32>
      %select_n3A_198 = arith.select %eq3A_195, %broadcast_in_dim3A_197, %select_n3A_176 : vector<256x32xi1>, vector<256x32xi32>
      %eq3A_199 = vector.broadcast %broadcast_in_dim3A_193 : vector<256x1xi32> to vector<256x4096xi32>
      %eq3A_200 = arith.cmpi eq, %add3A_61, %eq3A_199 : vector<256x4096xi32>
      %jit3A_201 = arith.constant 0x7F800000 : f32
      %broadcast_in_dim3A_202 = vector.broadcast %jit3A_201 : f32 to vector<256x4096xf32>
      %select_n3A_203 = arith.select %eq3A_200, %broadcast_in_dim3A_202, %select_n3A_181 : vector<256x4096xi1>, vector<256x4096xf32>
      %scan3A_204 = arith.constant 6 : i32
      %scan3A_205 = arith.addi %scan3A_73, %scan3A_204 : i32
      %reduce_min3A_206 = arith.constant dense<0x7F800000> : vector<256xf32>
      %reduce_min3A_207 = vector.multi_reduction <minimumf>, %select_n3A_203, %reduce_min3A_206 [1] : vector<256x4096xf32> to vector<256xf32>
      %broadcast_in_dim3A_208 = vector.shape_cast %reduce_min3A_207 : vector<256xf32> to vector<256x1xf32>
      %le3A_209 = vector.broadcast %broadcast_in_dim3A_208 : vector<256x1xf32> to vector<256x4096xf32>
      %le3A_210 = arith.cmpf ole, %select_n3A_203, %le3A_209 : vector<256x4096xf32>
      %broadcast_in_dim3A_211 = vector.broadcast %scan3A : i32 to vector<256x4096xi32>
      %select_n3A_212 = arith.select %le3A_210, %add3A_61, %broadcast_in_dim3A_211 : vector<256x4096xi1>, vector<256x4096xi32>
      %reduce_min3A_213 = arith.constant dense<2147483647> : vector<256xi32>
      %reduce_min3A_214 = vector.multi_reduction <minsi>, %select_n3A_212, %reduce_min3A_213 [1] : vector<256x4096xi32> to vector<256xi32>
      %broadcast_in_dim3A_215 = vector.shape_cast %reduce_min3A_214 : vector<256xi32> to vector<256x1xi32>
      %eq3A_216 = vector.broadcast %scan3A_205 : i32 to vector<256x32xi32>
      %eq3A_217 = arith.cmpi eq, %iota3A_62, %eq3A_216 : vector<256x32xi32>
      %broadcast_in_dim3A_218 = vector.shape_cast %broadcast_in_dim3A_215 : vector<256x1xi32> to vector<256x1xi32>
      %broadcast_in_dim3A_219 = vector.broadcast %broadcast_in_dim3A_218 : vector<256x1xi32> to vector<256x32xi32>
      %select_n3A_220 = arith.select %eq3A_217, %broadcast_in_dim3A_219, %select_n3A_198 : vector<256x32xi1>, vector<256x32xi32>
      %eq3A_221 = vector.broadcast %broadcast_in_dim3A_215 : vector<256x1xi32> to vector<256x4096xi32>
      %eq3A_222 = arith.cmpi eq, %add3A_61, %eq3A_221 : vector<256x4096xi32>
      %jit3A_223 = arith.constant 0x7F800000 : f32
      %broadcast_in_dim3A_224 = vector.broadcast %jit3A_223 : f32 to vector<256x4096xf32>
      %select_n3A_225 = arith.select %eq3A_222, %broadcast_in_dim3A_224, %select_n3A_203 : vector<256x4096xi1>, vector<256x4096xf32>
      %scan3A_226 = arith.constant 7 : i32
      %scan3A_227 = arith.addi %scan3A_73, %scan3A_226 : i32
      %reduce_min3A_228 = arith.constant dense<0x7F800000> : vector<256xf32>
      %reduce_min3A_229 = vector.multi_reduction <minimumf>, %select_n3A_225, %reduce_min3A_228 [1] : vector<256x4096xf32> to vector<256xf32>
      %broadcast_in_dim3A_230 = vector.shape_cast %reduce_min3A_229 : vector<256xf32> to vector<256x1xf32>
      %le3A_231 = vector.broadcast %broadcast_in_dim3A_230 : vector<256x1xf32> to vector<256x4096xf32>
      %le3A_232 = arith.cmpf ole, %select_n3A_225, %le3A_231 : vector<256x4096xf32>
      %broadcast_in_dim3A_233 = vector.broadcast %scan3A : i32 to vector<256x4096xi32>
      %select_n3A_234 = arith.select %le3A_232, %add3A_61, %broadcast_in_dim3A_233 : vector<256x4096xi1>, vector<256x4096xi32>
      %reduce_min3A_235 = arith.constant dense<2147483647> : vector<256xi32>
      %reduce_min3A_236 = vector.multi_reduction <minsi>, %select_n3A_234, %reduce_min3A_235 [1] : vector<256x4096xi32> to vector<256xi32>
      %broadcast_in_dim3A_237 = vector.shape_cast %reduce_min3A_236 : vector<256xi32> to vector<256x1xi32>
      %eq3A_238 = vector.broadcast %scan3A_227 : i32 to vector<256x32xi32>
      %eq3A_239 = arith.cmpi eq, %iota3A_62, %eq3A_238 : vector<256x32xi32>
      %broadcast_in_dim3A_240 = vector.shape_cast %broadcast_in_dim3A_237 : vector<256x1xi32> to vector<256x1xi32>
      %broadcast_in_dim3A_241 = vector.broadcast %broadcast_in_dim3A_240 : vector<256x1xi32> to vector<256x32xi32>
      %select_n3A_242 = arith.select %eq3A_239, %broadcast_in_dim3A_241, %select_n3A_220 : vector<256x32xi1>, vector<256x32xi32>
      %eq3A_243 = vector.broadcast %broadcast_in_dim3A_237 : vector<256x1xi32> to vector<256x4096xi32>
      %eq3A_244 = arith.cmpi eq, %add3A_61, %eq3A_243 : vector<256x4096xi32>
      %jit3A_245 = arith.constant 0x7F800000 : f32
      %broadcast_in_dim3A_246 = vector.broadcast %jit3A_245 : f32 to vector<256x4096xf32>
      %select_n3A_247 = arith.select %eq3A_244, %broadcast_in_dim3A_246, %select_n3A_225 : vector<256x4096xi1>, vector<256x4096xf32>
      scf.yield %select_n3A_247, %select_n3A_242 : vector<256x4096xf32>, vector<256x32xi32>
    }
    %scan3A_70 = arith.constant 32 : i32
    %swap3A = arith.constant 0 : index
    %swap3A_71 = arith.constant 0 : index
    %swap3A_72 = vector.load %arg3[%swap3A, %swap3A_71] : memref<256x32xi32, #tpu.memory_space<vmem>>, vector<256x32xi32>
    tpu.vector_store %arg3[%swap3A, %swap3A_71], %scan3A_69#1 {strides = array<i32>} : memref<256x32xi32, #tpu.memory_space<vmem>>, vector<256x32xi32>,
    return
  }
  func.func @transform_0(%arg0: i32) -> (i32, i32) {
    %c0_i32 = arith.constant 0 : i32
    %c0_i32_0 = arith.constant 0 : i32
    return %arg0, %c0_i32 : i32, i32
  }
  func.func @transform_1(%arg0: i32) -> (i32, i32) {
    %c0_i32 = arith.constant 0 : i32
    %c0_i32_0 = arith.constant 0 : i32
    return %arg0, %c0_i32 : i32, i32
  }
  func.func @transform_2(%arg0: i32) -> (i32, i32) {
    %c0_i32 = arith.constant 0 : i32
    %c0_i32_0 = arith.constant 0 : i32
    return %arg0, %c0_i32 : i32, i32
  }
}

module attributes {stable_mosaic.version = 14 : i64} {
  func.func @_mlp_body(%arg0: i32, %arg1: memref<512x128xf32, #tpu.memory_space<vmem>>, %arg2: memref<16x256xf32, #tpu.memory_space<vmem>>, %arg3: memref<256x128xf32, #tpu.memory_space<vmem>>, %arg4: memref<256x256xf32, #tpu.memory_space<vmem>>, %arg5: memref<1x256xf32, #tpu.memory_space<vmem>>, %arg6: memref<1x256xf32, #tpu.memory_space<vmem>>, %arg7: memref<1xf32, #tpu.memory_space<smem>>, %arg8: memref<512x1xf32, #tpu.memory_space<vmem>>) attributes {dimension_semantics = [#tpu.dimension_semantics<parallel>], iteration_bounds = array<i64: 64>, scalar_prefetch = 0 : i64, scratch_operands = 0 : i64, tpu.core_type = #tpu.core_type<tc>, window_params = [{transform_indices = @transform_0, window_bounds = array<i64: 512, 128>}, {transform_indices = @transform_1, window_bounds = array<i64: 16, 256>}, {pipeline_mode = #tpu.pipeline_mode<synchronous>, transform_indices = @transform_2, window_bounds = array<i64: 256, 128>}, {pipeline_mode = #tpu.pipeline_mode<synchronous>, transform_indices = @transform_3, window_bounds = array<i64: 256, 256>}, {pipeline_mode = #tpu.pipeline_mode<synchronous>, transform_indices = @transform_4, window_bounds = array<i64: 1, 256>}, {pipeline_mode = #tpu.pipeline_mode<synchronous>, transform_indices = @transform_5, window_bounds = array<i64: 1, 256>}, {transform_indices = @transform_6, window_bounds = array<i64: 1>}, {transform_indices = @transform_7, window_bounds = array<i64: 512, 1>}]} {
    %get3A = arith.constant 0 : index
    %get3A_0 = arith.constant 0 : index
    %get3A_1 = vector.load %arg1[%get3A, %get3A_0] : memref<512x128xf32, #tpu.memory_space<vmem>>, vector<512x128xf32>
    %get3A_2 = arith.constant 0 : index
    %get3A_3 = arith.constant 0 : index
    %get3A_4 = vector.load %arg2[%get3A_2, %get3A_3] : memref<16x256xf32, #tpu.memory_space<vmem>>, vector<16x256xf32>
    %iota3A = tpu.iota {dimensions = array<i32: 0>} : vector<512x16xi32>
    %jit3A = arith.constant 32 : i32
    %div3A = vector.broadcast %jit3A : i32 to vector<512x16xi32>
    %div3A_5 = arith.divsi %iota3A, %div3A : vector<512x16xi32>
    %sign3A = arith.constant 0 : i32
    %sign3A_6 = vector.broadcast %sign3A : i32 to vector<512x16xi32>
    %sign3A_7 = arith.cmpi sgt, %iota3A, %sign3A_6 : vector<512x16xi32>
    %sign3A_8 = arith.extui %sign3A_7 : vector<512x16xi1> to vector<512x16xi32>
    %sign3A_9 = arith.constant 0 : i32
    %sign3A_10 = vector.broadcast %sign3A_9 : i32 to vector<512x16xi32>
    %sign3A_11 = arith.cmpi slt, %iota3A, %sign3A_10 : vector<512x16xi32>
    %sign3A_12 = arith.extui %sign3A_11 : vector<512x16xi1> to vector<512x16xi32>
    %sign3A_13 = arith.subi %sign3A_8, %sign3A_12 : vector<512x16xi32>
    %sign3A_14 = arith.constant 0 : i32
    %sign3A_15 = arith.cmpi sgt, %jit3A, %sign3A_14 : i32
    %sign3A_16 = arith.extui %sign3A_15 : i1 to i32
    %sign3A_17 = arith.constant 0 : i32
    %sign3A_18 = arith.cmpi slt, %jit3A, %sign3A_17 : i32
    %sign3A_19 = arith.extui %sign3A_18 : i1 to i32
    %sign3A_20 = arith.subi %sign3A_16, %sign3A_19 : i32
    %ne3A = vector.broadcast %sign3A_20 : i32 to vector<512x16xi32>
    %ne3A_21 = arith.cmpi ne, %sign3A_13, %ne3A : vector<512x16xi32>
    %rem3A = vector.broadcast %jit3A : i32 to vector<512x16xi32>
    %rem3A_22 = arith.remsi %iota3A, %rem3A : vector<512x16xi32>
    %ne3A_23 = arith.constant 0 : i32
    %ne3A_24 = vector.broadcast %ne3A_23 : i32 to vector<512x16xi32>
    %ne3A_25 = arith.cmpi ne, %rem3A_22, %ne3A_24 : vector<512x16xi32>
    %and3A = arith.andi %ne3A_21, %ne3A_25 : vector<512x16xi1>
    %sub3A = arith.constant 1 : i32
    %sub3A_26 = vector.broadcast %sub3A : i32 to vector<512x16xi32>
    %sub3A_27 = arith.subi %div3A_5, %sub3A_26 : vector<512x16xi32>
    %select_n3A = arith.select %and3A, %sub3A_27, %div3A_5 : vector<512x16xi1>, vector<512x16xi32>
    %iota3A_28 = tpu.iota {dimensions = array<i32: 1>} : vector<512x16xi32>
    %eq3A = arith.cmpi eq, %select_n3A, %iota3A_28 : vector<512x16xi32>
    %jit3A_29 = arith.constant 1.000000e+00 : f32
    %jit3A_30 = arith.constant 0.000000e+00 : f32
    %broadcast_in_dim3A = vector.broadcast %jit3A_29 : f32 to vector<512x16xf32>
    %broadcast_in_dim3A_31 = vector.broadcast %jit3A_30 : f32 to vector<512x16xf32>
    %select_n3A_32 = arith.select %eq3A, %broadcast_in_dim3A, %broadcast_in_dim3A_31 : vector<512x16xi1>, vector<512x16xf32>
    %dot_general3A = arith.constant dense<0.000000e+00> : vector<512x256xf32>
    %dot_general3A_33 = tpu.matmul %select_n3A_32, %get3A_4, %dot_general3A {dimension_numbers = #tpu.dot_dimension_numbers<[1], [0], [0], [1], [0, 0, 1, 1], [], []>, precision = #tpu.contract_precision<fp32>, transpose_lhs_hint = false} : vector<512x16xf32>, vector<16x256xf32>, vector<512x256xf32> -> vector<512x256xf32>
    %get3A_34 = arith.constant 0 : index
    %get3A_35 = arith.constant 0 : index
    %get3A_36 = vector.load %arg3[%get3A_34, %get3A_35] : memref<256x128xf32, #tpu.memory_space<vmem>>, vector<256x128xf32>
    %dot_general3A_37 = arith.constant dense<0.000000e+00> : vector<512x256xf32>
    %dot_general3A_38 = tpu.matmul %get3A_1, %get3A_36, %dot_general3A_37 {dimension_numbers = #tpu.dot_dimension_numbers<[1], [1], [0], [0], [0, 0, 1, 0], [], []>, transpose_lhs_hint = false} : vector<512x128xf32>, vector<256x128xf32>, vector<512x256xf32> -> vector<512x256xf32>
    %add3A = arith.addf %dot_general3A_33, %dot_general3A_38 : vector<512x256xf32>
    %max3A = arith.constant 0.000000e+00 : f32
    %max3A_39 = vector.broadcast %max3A : f32 to vector<512x256xf32>
    %max3A_40 = arith.maximumf %add3A, %max3A_39 : vector<512x256xf32>
    %get3A_41 = arith.constant 0 : index
    %get3A_42 = arith.constant 0 : index
    %get3A_43 = vector.load %arg4[%get3A_41, %get3A_42] : memref<256x256xf32, #tpu.memory_space<vmem>>, vector<256x256xf32>
    %dot_general3A_44 = arith.constant dense<0.000000e+00> : vector<512x256xf32>
    %dot_general3A_45 = tpu.matmul %max3A_40, %get3A_43, %dot_general3A_44 {dimension_numbers = #tpu.dot_dimension_numbers<[1], [1], [0], [0], [0, 0, 1, 0], [], []>, transpose_lhs_hint = false} : vector<512x256xf32>, vector<256x256xf32>, vector<512x256xf32> -> vector<512x256xf32>
    %get3A_46 = arith.constant 0 : index
    %get3A_47 = arith.constant 0 : index
    %get3A_48 = vector.load %arg5[%get3A_46, %get3A_47] : memref<1x256xf32, #tpu.memory_space<vmem>>, vector<1x256xf32>
    %add3A_49 = vector.broadcast %get3A_48 : vector<1x256xf32> to vector<512x256xf32>
    %add3A_50 = arith.addf %dot_general3A_45, %add3A_49 : vector<512x256xf32>
    %max3A_51 = arith.constant 0.000000e+00 : f32
    %max3A_52 = vector.broadcast %max3A_51 : f32 to vector<512x256xf32>
    %max3A_53 = arith.maximumf %add3A_50, %max3A_52 : vector<512x256xf32>
    %get3A_54 = arith.constant 0 : index
    %get3A_55 = arith.constant 0 : index
    %get3A_56 = vector.load %arg6[%get3A_54, %get3A_55] : memref<1x256xf32, #tpu.memory_space<vmem>>, vector<1x256xf32>
    %mul3A = vector.broadcast %get3A_56 : vector<1x256xf32> to vector<512x256xf32>
    %mul3A_57 = arith.mulf %max3A_53, %mul3A : vector<512x256xf32>
    %reduce_sum3A = arith.constant dense<0.000000e+00> : vector<512xf32>
    %reduce_sum3A_58 = vector.multi_reduction <add>, %mul3A_57, %reduce_sum3A [1] : vector<512x256xf32> to vector<512xf32>
    %broadcast_in_dim3A_59 = vector.shape_cast %reduce_sum3A_58 : vector<512xf32> to vector<512x1xf32>
    %get3A_60 = arith.constant 0 : index
    %get3A_61 = memref.load %arg7[%get3A_60] : memref<1xf32, #tpu.memory_space<smem>>
    %add3A_62 = vector.broadcast %get3A_61 : f32 to vector<512x1xf32>
    %add3A_63 = arith.addf %broadcast_in_dim3A_59, %add3A_62 : vector<512x1xf32>
    %swap3A = arith.constant 0 : index
    %swap3A_64 = arith.constant 0 : index
    %swap3A_65 = vector.load %arg8[%swap3A, %swap3A_64] : memref<512x1xf32, #tpu.memory_space<vmem>>, vector<512x1xf32>
    tpu.vector_store %arg8[%swap3A, %swap3A_64], %add3A_63 {strides = array<i32>} : memref<512x1xf32, #tpu.memory_space<vmem>>, vector<512x1xf32>,
    return
  }
  func.func @transform_0(%arg0: i32) -> (i32, i32) {
    %c0_i32 = arith.constant 0 : i32
    %c0_i32_0 = arith.constant 0 : i32
    return %arg0, %c0_i32 : i32, i32
  }
  func.func @transform_1(%arg0: i32) -> (i32, i32) {
    %c0_i32 = arith.constant 0 : i32
    %c0_i32_0 = arith.constant 0 : i32
    return %arg0, %c0_i32 : i32, i32
  }
  func.func @transform_2(%arg0: i32) -> (i32, i32) {
    %c0_i32 = arith.constant 0 : i32
    %c0_i32_0 = arith.constant 0 : i32
    %c0_i32_1 = arith.constant 0 : i32
    return %c0_i32, %c0_i32_0 : i32, i32
  }
  func.func @transform_3(%arg0: i32) -> (i32, i32) {
    %c0_i32 = arith.constant 0 : i32
    %c0_i32_0 = arith.constant 0 : i32
    %c0_i32_1 = arith.constant 0 : i32
    return %c0_i32, %c0_i32_0 : i32, i32
  }
  func.func @transform_4(%arg0: i32) -> (i32, i32) {
    %c0_i32 = arith.constant 0 : i32
    %c0_i32_0 = arith.constant 0 : i32
    %c0_i32_1 = arith.constant 0 : i32
    return %c0_i32, %c0_i32_0 : i32, i32
  }
  func.func @transform_5(%arg0: i32) -> (i32, i32) {
    %c0_i32 = arith.constant 0 : i32
    %c0_i32_0 = arith.constant 0 : i32
    %c0_i32_1 = arith.constant 0 : i32
    return %c0_i32, %c0_i32_0 : i32, i32
  }
  func.func @transform_6(%arg0: i32) -> i32 {
    %c0_i32 = arith.constant 0 : i32
    %c0_i32_0 = arith.constant 0 : i32
    return %c0_i32 : i32
  }
  func.func @transform_7(%arg0: i32) -> (i32, i32) {
    %c0_i32 = arith.constant 0 : i32
    %c0_i32_0 = arith.constant 0 : i32
    return %arg0, %c0_i32 : i32, i32
  }
}

</mosaic_0001>

<sc_bundles>
// kernel: kernel.10.cloned.1.call-start
scs
__scs_entry_jumppad:
0x0: {  	(pc) =	sbr.rel $0x88, $3  }
0x1: {  	(tag) =	ssettag $0x0;
	lr =	simm.s32 $0x1  }
0x2: {  	[smem:$0x3F8F] =	sst lr;
	_ =	strace $0xD0000000  }
0x3: {  	_ = 	snop  }
0x4: {  	_ = 	snop  }
0x5: {  	_ = 	snop  }
0x6: {  	_ = 	snop  }
0x7: {  	_ = 	snop  }
__scs_overlays_trampoline_lowered:
0x8: {  	[smem:$0x3F9E] =	sst s0  }
0x9: {  	[smem:$0x3F9F] =	sst s1  }
0xa: {  	[smem:$0x3FA0] =	sst s2  }
0xb: {  	[smem:$0x3FA1] =	sst s3  }
0xc: {  	[smem:$0x3FA2] =	sst s4  }
0xd: {  	[smem:$0x3FA3] =	sst s5  }
0xe: {  	[smem:$0x3FA4] =	sst s6  }
0xf: {  	[smem:$0x3FA5] =	sst s7  }
0x10: {  	[smem:$0x3FA6] =	sst s8  }
0x11: {  	[smem:$0x3FA7] =	sst s9;
	s0 =	simm.s32 @!p0 $0x0  }
0x12: {  	s1 =	sld [smem:$0x3F8D];
	s0 =	simm.s32 @p0 $0x1  }
0x13: {  	[smem:$0x3FA8] =	sst s0;
	s0 =	simm.s32 @!p1 $0x0  }
0x14: {  	s2 =	sld [smem:$0x3F8C];
	s0 =	simm.s32 @p1 $0x1  }
0x15: {  	[smem:$0x3FA9] =	sst s0;
	s0 =	simm.s32 @!p2 $0x0  }
0x16: {  	s3 =	sld [smem:$0x3FDB];
	s0 =	simm.s32 @p2 $0x1  }
0x17: {  	s4 =	simm.s32 $0x1BF5;
	[smem:$0x3FAB] =	sst s0  }
0x18: {  	s0 =	sld [smem:$0x3F8E];
	_ =	swait.ge [sflag:s4], $0x0  }
0x19: {  	s7 =	sld [smem:$0x3F8F]  }
0x1a: {  	s8 =	sadd.s32 $0xFFFFE003, lr  }
0x1b: {  	s9 =	sadd.s32 $0xFFFFFEF7, lr;
	s5 =	simm.s32 $0xFFFFFFFF;
	p2 =	slt.u32 s8, $0xFFFFF086  }
0x1c: {  	p1 =	slt.u32 s9, $0xF7A;
	s5 =	simm.s32 @!p2 $0x0  }
0x1d: {  	s5 =	simm.s32 @p1 $0x1;
	p0 =	seq.s32 s7, s2  }
0x1e: {  	s7 =	smul.u32 @!p0 $0xF7A, s2;
	p2 =	seq.s32 @!p0 s5, $0x0  }
0x1f: {  	s9 =	smul.u32 $0xF7A, s1;
	s8 =	simm.s32 @!p0 $0x1BF5;
	p2 =	por !p2, p0  }
0x20: {  	[sflag:s8] =	ssyncset.s32 @!p0 $0xFFFFF086;
	s6 =	sadd.s32 @!p0 s3, s7;
	s7 =	simm.s32 @!p0 $0x108  }
0x21: {  	s3 =	sadd.s32 s3, s9;
	s6 =	sadd.s32 @!p0 $0x88, s6;
	s7 =	simm.s32 @p2 $0x1082  }
0x22: {  	[simem:s7], [sflag:s8] =	dma.local @!p0 [hbm:s6], $0xF7A  }
0x23: {  	s9 =	sor.u32 $0xD0000000, s2;
	s6 =	simm.s32 $0x108;
	_ =	swait.ge @!p0 [sflag:s8], $0x0  }
0x24: {  	s3 =	sadd.s32 $0x88, s3;
	s6 =	simm.s32 @!p1 $0x1082;
	[sflag:s4] =	ssyncset.s32 $0xFFFFF086  }
0x25: {  	[simem:s6], [sflag:s4] =	dma.local [hbm:s3], $0xF7A  }
0x26: {  	[smem:$0x3F8F] =	sst s1;
	(tag) =	ssettag s2;
	_ =	strace s9  }
0x27: {  	s1 =	sld [smem:$0x3F9F]  }
0x28: {  	s2 =	sld [smem:$0x3FA0]  }
0x29: {  	s4 =	sld [smem:$0x3FA2]  }
0x2a: {  	p0 =	seq.s32 s5, $0x0;
	s5 =	sld [smem:$0x3FA3]  }
0x2b: {  	s6 =	sld [smem:$0x3FA4]  }
0x2c: {  	s7 =	sld [smem:$0x3FA5]  }
0x2d: {  	s3 =	simm.s32 $0x108;
	s8 =	sld [smem:$0x3FA6]  }
0x2e: {  	s3 =	simm.s32 @!p0 $0x1082;
	s9 =	sld [smem:$0x3FA7]  }
0x2f: {  	lr =	sadd.s32 s0, s3;
	s0 =	sld [smem:$0x3F9E]  }
0x30: {  	s3 =	sld [smem:$0x3FA1]  }
0x31: {  	[smem:$0x3FAA] =	sst s10  }
0x32: {  	s10 =	sld [smem:$0x3FA8];
	_ =	sdelay $0x3  }
0x33: {  	p0 =	seq.s32 s10, $0x1;
	s10 =	sld [smem:$0x3FAA];
	_ =	sdelay $0x3  }
0x34: {  	[smem:$0x3FAA] =	sst s10  }
0x35: {  	s10 =	sld [smem:$0x3FA9];
	_ =	sdelay $0x3  }
0x36: {  	p1 =	seq.s32 s10, $0x1;
	s10 =	sld [smem:$0x3FAA];
	_ =	sdelay $0x3  }
0x37: {  	[smem:$0x3FAA] =	sst s10  }
0x38: {  	s10 =	sld [smem:$0x3FAB]  }
0x39: {  	_ = 	snop;
	(pc) =	sbr.ind lr, $3  }
0x3a: {  	_ = 	snop  }
0x3b: {  	_ = 	snop  }
0x3c: {  	p2 =	seq.s32 s10, $0x1;
	s10 =	sld [smem:$0x3FAA]  }
0x3d: {  	_ =	shalt  }
0x3e: {  	_ =	shalt  }
0x3f: {  	_ =	shalt  }
0x40: {  	_ =	shalt  }
0x41: {  	_ =	shalt  }
0x42: {  	_ =	shalt  }
0x43: {  	_ =	shalt  }
0x44: {  	_ =	shalt  }
0x45: {  	_ =	shalt  }
0x46: {  	_ =	shalt  }
0x47: {  	_ =	shalt  }
0x48: {  	_ =	shalt  }
0x49: {  	_ =	shalt  }
0x4a: {  	_ =	shalt  }
0x4b: {  	_ =	shalt  }
0x4c: {  	_ =	shalt  }
0x4d: {  	_ =	shalt  }
0x4e: {  	_ =	shalt  }
0x4f: {  	_ =	shalt  }
0x50: {  	_ =	shalt  }
0x51: {  	_ =	shalt  }
0x52: {  	_ =	shalt  }
0x53: {  	_ =	shalt  }
0x54: {  	_ =	shalt  }
0x55: {  	_ =	shalt  }
0x56: {  	_ =	shalt  }
0x57: {  	_ =	shalt  }
0x58: {  	_ =	shalt  }
0x59: {  	_ =	shalt  }
0x5a: {  	_ =	shalt  }
0x5b: {  	_ =	shalt  }
0x5c: {  	_ =	shalt  }
0x5d: {  	_ =	shalt  }
0x5e: {  	_ =	shalt  }
0x5f: {  	_ =	shalt  }
0x60: {  	_ =	shalt  }
0x61: {  	_ =	shalt  }
0x62: {  	_ =	shalt  }
0x63: {  	_ =	shalt  }
0x64: {  	_ =	shalt  }
0x65: {  	_ =	shalt  }
0x66: {  	_ =	shalt  }
0x67: {  	_ =	shalt  }
0x68: {  	_ =	shalt  }
0x69: {  	_ =	shalt  }
0x6a: {  	_ =	shalt  }
0x6b: {  	_ =	shalt  }
0x6c: {  	_ =	shalt  }
0x6d: {  	_ =	shalt  }
0x6e: {  	_ =	shalt  }
0x6f: {  	_ =	shalt  }
0x70: {  	_ =	shalt  }
0x71: {  	_ =	shalt  }
0x72: {  	_ =	shalt  }
0x73: {  	_ =	shalt  }
0x74: {  	_ =	shalt  }
0x75: {  	_ =	shalt  }
0x76: {  	_ =	shalt  }
0x77: {  	_ =	shalt  }
0x78: {  	_ =	shalt  }
0x79: {  	_ =	shalt  }
0x7a: {  	_ =	shalt  }
0x7b: {  	_ =	shalt  }
0x7c: {  	_ =	shalt  }
0x7d: {  	_ =	shalt  }
0x7e: {  	_ =	shalt  }
0x7f: {  	_ =	shalt  }
0x80: {  	_ =	shalt  }
0x81: {  	_ =	shalt  }
0x82: {  	_ =	shalt  }
0x83: {  	_ =	shalt  }
0x84: {  	_ =	shalt  }
0x85: {  	_ =	shalt  }
0x86: {  	_ =	shalt  }
0x87: {  	_ =	shalt  }
.Lfunc_end0:
.L_simem_size_0:
called_computation_lowered:
.L_overlay_start_0:
0x88: {  	s2 =	sld [smem:$0x3FD9]  }
0x89: {  	s3 =	sld [smem:$0x3FFE];
	_ =	sdelay $0x1  }
0x8a: {  	s1 =	srdreg.scid  }
0x8b: {  	s0 =	sand.u32 $0x1, s1  }
0x8c: {  	s16 =	sshll.u32 s0, $0xA;
	s2 =	sadd.s32 s3, s2  }
0x8d: {  	s2 =	sadd.s32 s2, s16  }
0x8e: {  	[smem:$0x3FB6] =	sst s2  }
0x8f: {  	_ = 	snop  }
0x90: {  	(tm) =	ssettm $0x1  }
0x91: {  	s17 =	sld [smem:$0x3FFB];
	_ =	sdelay $0x3  }
0x92: {  	_ =	strace s17  }
0x93: {  	s2 =	sld [smem:$0x3FFC];
	_ =	sdelay $0x3  }
0x94: {  	_ =	strace s2  }
0x95: {  	s2 =	sld [smem:$0x3FFD];
	_ =	sdelay $0x3  }
0x96: {  	_ =	strace s2  }
0x97: {  	_ =	strace $0x8FFFFFFF  }
0x98: {  	s18 =	sld [smem:$0x3FDB];
	_ =	sdelay $0x1  }
0x99: {  	s19 =	simm.s32 $_scs_section_size  }
0x9a: {  	s4 =	simm.s32 $_size__tile_overlayer_lowered;
	s5 =	simm.s32 $_tile_overlayer_lowered  }
0x9b: {  	s22 =	simm.s32 $0x1BFF;
	s21 =	sshll.u32 s5, $0x1;
	s2 =	sadd.s32 s19, s18  }
0x9c: {  	s6 =	simm.s32 $0x0;
	s20 =	sshll.u32 s4, $0x1;
	s4 =	sadd.s32 s21, s2  }
0x9d: {  	[timem:s6], [sflag:s22] =	dma.local [hbm:s4], s20  }
0x9e: {  	_ =	swait.ge [sflag:s22], s20  }
0x9f: {  	s3 =	ssub.s32 $0x0, s20;
	[sflag:s22] =	ssyncset.done $0x0  }
0xa0: {  	[sflag:s22] =	ssyncadd.s32 s3;
	_ =	sdelay $0x1  }
0xa1: {  	s23 =	simm.s32 $0x1B8B  }
0xa2: {  	_ =	swait.ge [sflag:s23], $0x1  }
0xa3: {  	[sflag:s23] =	ssyncset.done $0x0  }
0xa4: {  	s25 =	simm.s32 $0x1B8E;
	s24 =	sld [smem:$0x3FFE];
	[sflag:s23] =	ssyncadd.s32 $0xFFFFFFFF  }
0xa5: {  	s26 =	simm.s32 $execute0_lowered;
	[smem:$0x3FD2] =	sst s25  }
0xa6: {  	s4 =	sshll.u32 s26, $0x1;
	_ =	strace $0x80000046;
	[dreg:$0x1] =	wrdreg $0xFFFFFFFF  }
0xa7: {  	s28 =	simm.s32 $_size_execute0_lowered;
	s2 =	sadd.s32 s2, s4;
	[dreg:$0x0] =	wrdreg $0x0  }
0xa8: {  	s4 =	sshll.u32 s28, $0x1;
	[dreg:$0x2] =	wrdreg s2  }
0xa9: {  	[dreg:$0x3] =	wrdreg s4  }
0xaa: {  	[dreg:$0x4] =	wrdreg $0xC0  }
0xab: {  	_ =	task [dreg:s6], $0x5FFFF  }
0xac: {  	[dreg:$0x1] =	wrdreg $0xFFFFFFFF  }
0xad: {  	[dreg:$0x0] =	wrdreg $0x60  }
0xae: {  	[dreg:$0x2] =	wrdreg s24  }
0xaf: {  	[dreg:$0x3] =	wrdreg $0x9  }
0xb0: {  	_ =	task.clear_ibuf [dreg:s6], $0x4FFFF;
	_ =	strace $0x90000046  }
0xb1: {  	s29 =	simm.s32 $0x9;
	_ =	strace $0x80000048  }
0xb2: {  	_ =	swait.ge [sflag:s29], $0x1  }
0xb3: {  	[sflag:s29] =	ssyncadd.s32 $0xFFFFFFFF  }
0xb4: {  	_ =	strace $0x90000048  }
0xb5: {  	_ =	sfence  }
0xb6: {  	s30 =	sld [smem:$0x0];
	_ =	sdelay $0x2  }
0xb7: {  	s31 =	sshll.u32 s1, $0xD;
	s1 =	sshrl.u32 s1, $0x2  }
0xb8: {  	s3 =	sand.u32 $0x4000, s31;
	s1 =	sadd.s32 s1, s30  }
0xb9: {  	s0 =	sor.u32 s3, s0;
	s1 =	sshll.u32 s1, $0x11  }
0xba: {  	s0 =	sor.u32 s1, s0  }
0xbb: {  	s0 =	sadd.s32 $0x8F2B, s0  }
0xbc: {  	[sflag:s0] =	ssyncadd.remote.s32 $0x1  }
0xbd: {  	_ =	sfence.sel $0xFFFF  }
0xbe: {  	[dreg:$0x0] =	wrdreg $0xFFFFFFFF;
	(pc) =	sbr.abs _section_cstart, $3  }
0xbf: {  	[dreg:$0x1] =	wrdreg $0xFFFFFFFF  }
0xc0: {  	_ =	task.clear_ibuf [dreg:s6], $0x2FFFF;
	_ =	strace $0x9FFFFFFF  }
0xc1: {  	(tm) =	ssettm $0x7FFFFFFF  }
tec
execute0_lowered:
.L_overlay_start_1:
0x0: {  	(tag) =	ssettag $0x1  }
0x1: {  	s1 =	srdreg.scid  }
0x2: {  	s0 =	stileid.u32;
	s19 =	sand.u32 $0x1, s1  }
0x3: {  	s30 =	sshll.u32 s0, $0xB;
	s2 =	sshll.u32 s19, $0xA  }
0x4: {  	s10 =	rddreg [dreg:$0x0];
	s11 =	sor.u32 s2, s30  }
0x5: {  	s1 =	rddreg [dreg:$0x1];
	s2 =	simm.s32 $0x0;
	s3 =	sshrl.u32 s11, $0x3  }
0x6: {  	[smem:$0x7FF] =	sst s2;
	s3 =	sadd.s32 s3, s10  }
0x7: {  	_ =	strace $0x80000047;
	s4 =	sadd.s32 $0xC000, s3;
	s3 =	simm.s32 $0x2  }
0x8: {  	[tilespmem:s2], [sflag:$0x2] =	stream.linear.gather [hbm4b:s4+s2], $0x400, $0x38;
	[tilespmem:$0x8400] =	vst v63  }
0x9: {  	_ =	swait.ge [sflag:s3], $0x400  }
0xa: {  	s6 =	simm.s32 $0x80;
	[sflag:s3] =	ssyncset.done $0x0  }
0xb: {  	s7 =	simm.s32 $0x400;
	s5 =	sadd.s32 $0x1133000, s10;
	[sflag:s3] =	ssyncadd.s32 $0xFFFFFC00  }
0xc: {  	[tilespmem:s7], [sflag:$0x1] =	stream.indirect.gather [hbm4b:s5+s6], $0x80, s2, s6, $0xb8;
	[tilespmem:$0x8400] =	vst v63  }
0xd: {  	s8 =	simm.s32 $0x4400;
	s9 =	simm.s32 $0x1  }
0xe: {  	[tilespmem:s8], [sflag:$0x1] =	stream.indirect.gather [hbm4b:s5+s6], $0x80, s6, s6, $0xb8;
	[tilespmem:$0x8400] =	vst v63  }
0xf: {  	_ =	swait.ge [sflag:s9], $0x4000  }
0x10: {  	[sflag:s9] =	ssyncset.done $0x0  }
0x11: {  	[sflag:s9] =	ssyncadd.s32 $0xFFFFC000  }
0x12: {  	s11 =	sshll.u32 s11, $0x4;
	_ =	swait.ge [sflag:s9], $0x4000  }
0x13: {  	s20 =	sadd.s32 s11, s10;
	[sflag:s9] =	ssyncset.done $0x0  }
0x14: {  	s10 =	sadd.s32 $0xD000, s20;
	[sflag:s9] =	ssyncadd.s32 $0xFFFFC000  }
0x15: {  	[hbm4b:s10+s2] =	stream.linear.scatter [tilespmem:s7], [sflag:$0x2], $0x8000, $0x38;
	[tilespmem:$0x8400] =	vst v63  }
0x16: {  	_ =	swait.ge [sflag:s3], $0x8000  }
0x17: {  	[sflag:s3] =	ssyncset.done $0x0  }
0x18: {  	s11 =	simm.s32 $0x100;
	[sflag:s3] =	ssyncadd.s32 $0xFFFF8000  }
0x19: {  	[tilespmem:s7], [sflag:$0x1] =	stream.indirect.gather [hbm4b:s5+s6], $0x80, s11, s6, $0xb8;
	[tilespmem:$0x8400] =	vst v63  }
0x1a: {  	s12 =	simm.s32 $0x180  }
0x1b: {  	[tilespmem:s8], [sflag:$0x1] =	stream.indirect.gather [hbm4b:s5+s6], $0x80, s12, s6, $0xb8;
	[tilespmem:$0x8400] =	vst v63  }
0x1c: {  	_ =	swait.ge [sflag:s9], $0x4000  }
0x1d: {  	[sflag:s9] =	ssyncset.done $0x0  }
0x1e: {  	[sflag:s9] =	ssyncadd.s32 $0xFFFFC000  }
0x1f: {  	_ =	swait.ge [sflag:s9], $0x4000  }
0x20: {  	[sflag:s9] =	ssyncset.done $0x0  }
0x21: {  	s13 =	sadd.s32 $0xE000, s20;
	[sflag:s9] =	ssyncadd.s32 $0xFFFFC000  }
0x22: {  	[hbm4b:s13+s2] =	stream.linear.scatter [tilespmem:s7], [sflag:$0x2], $0x8000, $0x38;
	[tilespmem:$0x8400] =	vst v63  }
0x23: {  	_ =	swait.ge [sflag:s3], $0x8000  }
0x24: {  	[sflag:s3] =	ssyncset.done $0x0  }
0x25: {  	s14 =	simm.s32 $0x200;
	[sflag:s3] =	ssyncadd.s32 $0xFFFF8000  }
0x26: {  	[tilespmem:s7], [sflag:$0x1] =	stream.indirect.gather [hbm4b:s5+s6], $0x80, s14, s6, $0xb8;
	[tilespmem:$0x8400] =	vst v63  }
0x27: {  	s15 =	simm.s32 $0x280  }
0x28: {  	[tilespmem:s8], [sflag:$0x1] =	stream.indirect.gather [hbm4b:s5+s6], $0x80, s15, s6, $0xb8;
	[tilespmem:$0x8400] =	vst v63  }
0x29: {  	_ =	swait.ge [sflag:s9], $0x4000  }
0x2a: {  	[sflag:s9] =	ssyncset.done $0x0  }
0x2b: {  	[sflag:s9] =	ssyncadd.s32 $0xFFFFC000  }
0x2c: {  	_ =	swait.ge [sflag:s9], $0x4000  }
0x2d: {  	[sflag:s9] =	ssyncset.done $0x0  }
0x2e: {  	s16 =	sadd.s32 $0xF000, s20;
	[sflag:s9] =	ssyncadd.s32 $0xFFFFC000  }
0x2f: {  	[hbm4b:s16+s2] =	stream.linear.scatter [tilespmem:s7], [sflag:$0x2], $0x8000, $0x38;
	[tilespmem:$0x8400] =	vst v63  }
0x30: {  	_ =	swait.ge [sflag:s3], $0x8000  }
0x31: {  	[sflag:s3] =	ssyncset.done $0x0  }
0x32: {  	s17 =	simm.s32 $0x300;
	[sflag:s3] =	ssyncadd.s32 $0xFFFF8000  }
0x33: {  	[tilespmem:s7], [sflag:$0x1] =	stream.indirect.gather [hbm4b:s5+s6], $0x80, s17, s6, $0xb8;
	[tilespmem:$0x8400] =	vst v63  }
0x34: {  	s18 =	simm.s32 $0x380;
	s19 =	ssub.s32 $0x2, s19  }
0x35: {  	[tilespmem:s8], [sflag:$0x1] =	stream.indirect.gather [hbm4b:s5+s6], $0x80, s18, s6, $0xb8;
	[tilespmem:$0x8400] =	vst v63  }
0x36: {  	s21 =	sshrl.u32 s19, $0x1;
	_ =	swait.ge [sflag:s9], $0x4000  }
0x37: {  	s21 =	ssub.s32 s19, s21;
	[sflag:s9] =	ssyncset.done $0x0  }
0x38: {  	s31 =	smax.u32 s21, $0x1;
	[sflag:s9] =	ssyncadd.s32 $0xFFFFC000  }
0x39: {  	p0 =	sne.s32 s31, $0x1;
	_ =	swait.ge [sflag:s9], $0x4000  }
.Ltmp0:
0x3a: {  	[sflag:s9] =	ssyncset.done $0x0;
	(pc) =	sbr.rel @!p0 .LBB2_2-.Ltmp0, $4  }
0x3b: {  	s19 =	sadd.s32 $0x10000, s20;
	[sflag:s9] =	ssyncadd.s32 $0xFFFFC000  }
0x3c: {  	[hbm4b:s19+s2] =	stream.linear.scatter [tilespmem:s7], [sflag:$0x2], $0x8000, $0x38;
	[tilespmem:$0x8400] =	vst v63  }
0x3d: {  	_ =	swait.ge [sflag:s3], $0x8000  }
0x3e: {  	s20 =	sadd.s32 $0xFFFFFFFF, s31;
	[sflag:s3] =	ssyncset.done $0x0  }
.LBB2_1:
0x3f: {  	p0 =	sne.s32 s20, $0x1;
	s20 =	sadd.s32 $0xFFFFFFFF, s20;
	[sflag:s3] =	ssyncadd.s32 $0xFFFF8000  }
0x40: {  	[tilespmem:s2], [sflag:$0x2] =	stream.linear.gather [hbm4b:s4+s2], $0x400, $0x38;
	[tilespmem:$0x8400] =	vst v63  }
0x41: {  	_ =	swait.ge [sflag:s3], $0x400  }
0x42: {  	[sflag:s3] =	ssyncset.done $0x0  }
0x43: {  	[sflag:s3] =	ssyncadd.s32 $0xFFFFFC00  }
0x44: {  	[tilespmem:s7], [sflag:$0x1] =	stream.indirect.gather [hbm4b:s5+s6], $0x80, s2, s6, $0xb8;
	[tilespmem:$0x8400] =	vst v63  }
0x45: {  	_ = 	snop  }
0x46: {  	[tilespmem:s8], [sflag:$0x1] =	stream.indirect.gather [hbm4b:s5+s6], $0x80, s6, s6, $0xb8;
	[tilespmem:$0x8400] =	vst v63  }
0x47: {  	_ =	swait.ge [sflag:s9], $0x4000  }
0x48: {  	[sflag:s9] =	ssyncset.done $0x0  }
0x49: {  	[sflag:s9] =	ssyncadd.s32 $0xFFFFC000  }
0x4a: {  	_ =	swait.ge [sflag:s9], $0x4000  }
0x4b: {  	[sflag:s9] =	ssyncset.done $0x0  }
0x4c: {  	[sflag:s9] =	ssyncadd.s32 $0xFFFFC000  }
0x4d: {  	[hbm4b:s10+s2] =	stream.linear.scatter [tilespmem:s7], [sflag:$0x2], $0x8000, $0x38;
	[tilespmem:$0x8400] =	vst v63  }
0x4e: {  	_ =	swait.ge [sflag:s3], $0x8000  }
0x4f: {  	[sflag:s3] =	ssyncset.done $0x0  }
0x50: {  	[sflag:s3] =	ssyncadd.s32 $0xFFFF8000  }
0x51: {  	[tilespmem:s7], [sflag:$0x1] =	stream.indirect.gather [hbm4b:s5+s6], $0x80, s11, s6, $0xb8;
	[tilespmem:$0x8400] =	vst v63  }
0x52: {  	_ = 	snop  }
0x53: {  	[tilespmem:s8], [sflag:$0x1] =	stream.indirect.gather [hbm4b:s5+s6], $0x80, s12, s6, $0xb8;
	[tilespmem:$0x8400] =	vst v63  }
0x54: {  	_ =	swait.ge [sflag:s9], $0x4000  }
0x55: {  	[sflag:s9] =	ssyncset.done $0x0  }
0x56: {  	[sflag:s9] =	ssyncadd.s32 $0xFFFFC000  }
0x57: {  	_ =	swait.ge [sflag:s9], $0x4000  }
0x58: {  	[sflag:s9] =	ssyncset.done $0x0  }
0x59: {  	[sflag:s9] =	ssyncadd.s32 $0xFFFFC000  }
0x5a: {  	[hbm4b:s13+s2] =	stream.linear.scatter [tilespmem:s7], [sflag:$0x2], $0x8000, $0x38;
	[tilespmem:$0x8400] =	vst v63  }
0x5b: {  	_ =	swait.ge [sflag:s3], $0x8000  }
0x5c: {  	[sflag:s3] =	ssyncset.done $0x0  }
0x5d: {  	[sflag:s3] =	ssyncadd.s32 $0xFFFF8000  }
0x5e: {  	[tilespmem:s7], [sflag:$0x1] =	stream.indirect.gather [hbm4b:s5+s6], $0x80, s14, s6, $0xb8;
	[tilespmem:$0x8400] =	vst v63  }
0x5f: {  	_ = 	snop  }
0x60: {  	[tilespmem:s8], [sflag:$0x1] =	stream.indirect.gather [hbm4b:s5+s6], $0x80, s15, s6, $0xb8;
	[tilespmem:$0x8400] =	vst v63  }
0x61: {  	_ =	swait.ge [sflag:s9], $0x4000  }
0x62: {  	[sflag:s9] =	ssyncset.done $0x0  }
0x63: {  	[sflag:s9] =	ssyncadd.s32 $0xFFFFC000  }
0x64: {  	_ =	swait.ge [sflag:s9], $0x4000  }
0x65: {  	[sflag:s9] =	ssyncset.done $0x0  }
0x66: {  	[sflag:s9] =	ssyncadd.s32 $0xFFFFC000  }
0x67: {  	[hbm4b:s16+s2] =	stream.linear.scatter [tilespmem:s7], [sflag:$0x2], $0x8000, $0x38;
	[tilespmem:$0x8400] =	vst v63  }
0x68: {  	_ =	swait.ge [sflag:s3], $0x8000  }
0x69: {  	[sflag:s3] =	ssyncset.done $0x0  }
0x6a: {  	[sflag:s3] =	ssyncadd.s32 $0xFFFF8000  }
0x6b: {  	[tilespmem:s7], [sflag:$0x1] =	stream.indirect.gather [hbm4b:s5+s6], $0x80, s17, s6, $0xb8;
	[tilespmem:$0x8400] =	vst v63  }
0x6c: {  	_ = 	snop  }
0x6d: {  	[tilespmem:s8], [sflag:$0x1] =	stream.indirect.gather [hbm4b:s5+s6], $0x80, s18, s6, $0xb8;
	[tilespmem:$0x8400] =	vst v63  }
0x6e: {  	_ =	swait.ge [sflag:s9], $0x4000  }
0x6f: {  	[sflag:s9] =	ssyncset.done $0x0  }
0x70: {  	[sflag:s9] =	ssyncadd.s32 $0xFFFFC000  }
0x71: {  	_ =	swait.ge [sflag:s9], $0x4000  }
.Ltmp1:
0x72: {  	[sflag:s9] =	ssyncset.done $0x0;
	(pc) =	sbr.rel @p0 .LBB2_1-.Ltmp1, $4  }
0x73: {  	[sflag:s9] =	ssyncadd.s32 $0xFFFFC000  }
0x74: {  	[hbm4b:s19+s2] =	stream.linear.scatter [tilespmem:s7], [sflag:$0x2], $0x8000, $0x38;
	[tilespmem:$0x8400] =	vst v63  }
0x75: {  	_ =	swait.ge [sflag:s3], $0x8000  }
0x76: {  	[sflag:s3] =	ssyncset.done $0x0  }
.LBB2_2:
0x77: {  	[sflag:s3] =	ssyncadd.s32 $0xFFFF8000  }
0x78: {  	_ =	sfence.sel $0x180000  }
0x79: {  	[bflag:$0x0] =	sbarrier.arrive $0xFFFF  }
0x7a: {  	p0 =	sne.s32 s0, $0x0;
	_ =	strace $0x90000047  }
0x7b: {  	s0 =	sadd.s32 @!p0 $0x100000, s1;
	[bflag:$0x2] =	sbarrier.arrive $0xFFFF  }
0x7c: {  	[sflag:s0] =	ssyncadd.tile.s32 @!p0 $0x1;
	_ =	shalt  }
.Lfunc_end2:
_tile_overlayer_lowered:
.L_overlay_start_2:
0x7d: {  	(tag) =	ssettag $0x2  }
0x7e: {  	s0 =	rddreg [dreg:$0x0];
	s2 =	stileid.u32  }
0x7f: {  	s1 =	rddreg [dreg:$0x1];
	p0 =	sne.s32 s2, $0x0  }
0x80: {  	s3 =	rddreg [dreg:$0x2];
	[bflag:$0x3] =	sbarrier.arrive $0xFFFF;
	s2 =	simm.s32 @!p0 $0x1C02  }
0x81: {  	[timem:s3], [sflag:s2] =	dma.local @!p0 [hbm:s0], s1  }
0x82: {  	s0 =	simm.s32 @!p0 $0x2  }
0x83: {  	_ =	swait.ge @!p0 [sflag:s0], s1  }
0x84: {  	s1 =	ssub.s32 @!p0 $0x0, s1;
	[sflag:s0] =	ssyncset.done @!p0 $0x0  }
0x85: {  	[sflag:s0] =	ssyncadd.s32 @!p0 s1  }
0x86: {  	[bflag:$0x3] =	sbarrier.arrive $0xFFFF  }
0x87: {  	_ =	shalt  }

// kernel: kernel.13.cloned.1.call-start
scs
__scs_entry_jumppad:
0x0: {  	(pc) =	sbr.rel $0x88, $3  }
0x1: {  	(tag) =	ssettag $0x0;
	lr =	simm.s32 $0x1  }
0x2: {  	[smem:$0x3F8F] =	sst lr;
	_ =	strace $0xD0000000  }
0x3: {  	_ = 	snop  }
0x4: {  	_ = 	snop  }
0x5: {  	_ = 	snop  }
0x6: {  	_ = 	snop  }
0x7: {  	_ = 	snop  }
__scs_overlays_trampoline_lowered:
0x8: {  	[smem:$0x3F9E] =	sst s0  }
0x9: {  	[smem:$0x3F9F] =	sst s1  }
0xa: {  	[smem:$0x3FA0] =	sst s2  }
0xb: {  	[smem:$0x3FA1] =	sst s3  }
0xc: {  	[smem:$0x3FA2] =	sst s4  }
0xd: {  	[smem:$0x3FA3] =	sst s5  }
0xe: {  	[smem:$0x3FA4] =	sst s6  }
0xf: {  	[smem:$0x3FA5] =	sst s7  }
0x10: {  	[smem:$0x3FA6] =	sst s8  }
0x11: {  	[smem:$0x3FA7] =	sst s9;
	s0 =	simm.s32 @!p0 $0x0  }
0x12: {  	s1 =	sld [smem:$0x3F8D];
	s0 =	simm.s32 @p0 $0x1  }
0x13: {  	[smem:$0x3FA8] =	sst s0;
	s0 =	simm.s32 @!p1 $0x0  }
0x14: {  	s2 =	sld [smem:$0x3F8C];
	s0 =	simm.s32 @p1 $0x1  }
0x15: {  	[smem:$0x3FA9] =	sst s0;
	s0 =	simm.s32 @!p2 $0x0  }
0x16: {  	s3 =	sld [smem:$0x3FDB];
	s0 =	simm.s32 @p2 $0x1  }
0x17: {  	s4 =	simm.s32 $0x1BF5;
	[smem:$0x3FAB] =	sst s0  }
0x18: {  	s0 =	sld [smem:$0x3F8E];
	_ =	swait.ge [sflag:s4], $0x0  }
0x19: {  	s7 =	sld [smem:$0x3F8F]  }
0x1a: {  	s8 =	sadd.s32 $0xFFFFE003, lr  }
0x1b: {  	s9 =	sadd.s32 $0xFFFFFEF7, lr;
	s5 =	simm.s32 $0xFFFFFFFF;
	p2 =	slt.u32 s8, $0xFFFFF086  }
0x1c: {  	p1 =	slt.u32 s9, $0xF7A;
	s5 =	simm.s32 @!p2 $0x0  }
0x1d: {  	s5 =	simm.s32 @p1 $0x1;
	p0 =	seq.s32 s7, s2  }
0x1e: {  	s7 =	smul.u32 @!p0 $0xF7A, s2;
	p2 =	seq.s32 @!p0 s5, $0x0  }
0x1f: {  	s9 =	smul.u32 $0xF7A, s1;
	s8 =	simm.s32 @!p0 $0x1BF5;
	p2 =	por !p2, p0  }
0x20: {  	[sflag:s8] =	ssyncset.s32 @!p0 $0xFFFFF086;
	s6 =	sadd.s32 @!p0 s3, s7;
	s7 =	simm.s32 @!p0 $0x108  }
0x21: {  	s3 =	sadd.s32 s3, s9;
	s6 =	sadd.s32 @!p0 $0x88, s6;
	s7 =	simm.s32 @p2 $0x1082  }
0x22: {  	[simem:s7], [sflag:s8] =	dma.local @!p0 [hbm:s6], $0xF7A  }
0x23: {  	s9 =	sor.u32 $0xD0000000, s2;
	s6 =	simm.s32 $0x108;
	_ =	swait.ge @!p0 [sflag:s8], $0x0  }
0x24: {  	s3 =	sadd.s32 $0x88, s3;
	s6 =	simm.s32 @!p1 $0x1082;
	[sflag:s4] =	ssyncset.s32 $0xFFFFF086  }
0x25: {  	[simem:s6], [sflag:s4] =	dma.local [hbm:s3], $0xF7A  }
0x26: {  	[smem:$0x3F8F] =	sst s1;
	(tag) =	ssettag s2;
	_ =	strace s9  }
0x27: {  	s1 =	sld [smem:$0x3F9F]  }
0x28: {  	s2 =	sld [smem:$0x3FA0]  }
0x29: {  	s4 =	sld [smem:$0x3FA2]  }
0x2a: {  	p0 =	seq.s32 s5, $0x0;
	s5 =	sld [smem:$0x3FA3]  }
0x2b: {  	s6 =	sld [smem:$0x3FA4]  }
0x2c: {  	s7 =	sld [smem:$0x3FA5]  }
0x2d: {  	s3 =	simm.s32 $0x108;
	s8 =	sld [smem:$0x3FA6]  }
0x2e: {  	s3 =	simm.s32 @!p0 $0x1082;
	s9 =	sld [smem:$0x3FA7]  }
0x2f: {  	lr =	sadd.s32 s0, s3;
	s0 =	sld [smem:$0x3F9E]  }
0x30: {  	s3 =	sld [smem:$0x3FA1]  }
0x31: {  	[smem:$0x3FAA] =	sst s10  }
0x32: {  	s10 =	sld [smem:$0x3FA8];
	_ =	sdelay $0x3  }
0x33: {  	p0 =	seq.s32 s10, $0x1;
	s10 =	sld [smem:$0x3FAA];
	_ =	sdelay $0x3  }
0x34: {  	[smem:$0x3FAA] =	sst s10  }
0x35: {  	s10 =	sld [smem:$0x3FA9];
	_ =	sdelay $0x3  }
0x36: {  	p1 =	seq.s32 s10, $0x1;
	s10 =	sld [smem:$0x3FAA];
	_ =	sdelay $0x3  }
0x37: {  	[smem:$0x3FAA] =	sst s10  }
0x38: {  	s10 =	sld [smem:$0x3FAB]  }
0x39: {  	_ = 	snop;
	(pc) =	sbr.ind lr, $3  }
0x3a: {  	_ = 	snop  }
0x3b: {  	_ = 	snop  }
0x3c: {  	p2 =	seq.s32 s10, $0x1;
	s10 =	sld [smem:$0x3FAA]  }
0x3d: {  	_ =	shalt  }
0x3e: {  	_ =	shalt  }
0x3f: {  	_ =	shalt  }
0x40: {  	_ =	shalt  }
0x41: {  	_ =	shalt  }
0x42: {  	_ =	shalt  }
0x43: {  	_ =	shalt  }
0x44: {  	_ =	shalt  }
0x45: {  	_ =	shalt  }
0x46: {  	_ =	shalt  }
0x47: {  	_ =	shalt  }
0x48: {  	_ =	shalt  }
0x49: {  	_ =	shalt  }
0x4a: {  	_ =	shalt  }
0x4b: {  	_ =	shalt  }
0x4c: {  	_ =	shalt  }
0x4d: {  	_ =	shalt  }
0x4e: {  	_ =	shalt  }
0x4f: {  	_ =	shalt  }
0x50: {  	_ =	shalt  }
0x51: {  	_ =	shalt  }
0x52: {  	_ =	shalt  }
0x53: {  	_ =	shalt  }
0x54: {  	_ =	shalt  }
0x55: {  	_ =	shalt  }
0x56: {  	_ =	shalt  }
0x57: {  	_ =	shalt  }
0x58: {  	_ =	shalt  }
0x59: {  	_ =	shalt  }
0x5a: {  	_ =	shalt  }
0x5b: {  	_ =	shalt  }
0x5c: {  	_ =	shalt  }
0x5d: {  	_ =	shalt  }
0x5e: {  	_ =	shalt  }
0x5f: {  	_ =	shalt  }
0x60: {  	_ =	shalt  }
0x61: {  	_ =	shalt  }
0x62: {  	_ =	shalt  }
0x63: {  	_ =	shalt  }
0x64: {  	_ =	shalt  }
0x65: {  	_ =	shalt  }
0x66: {  	_ =	shalt  }
0x67: {  	_ =	shalt  }
0x68: {  	_ =	shalt  }
0x69: {  	_ =	shalt  }
0x6a: {  	_ =	shalt  }
0x6b: {  	_ =	shalt  }
0x6c: {  	_ =	shalt  }
0x6d: {  	_ =	shalt  }
0x6e: {  	_ =	shalt  }
0x6f: {  	_ =	shalt  }
0x70: {  	_ =	shalt  }
0x71: {  	_ =	shalt  }
0x72: {  	_ =	shalt  }
0x73: {  	_ =	shalt  }
0x74: {  	_ =	shalt  }
0x75: {  	_ =	shalt  }
0x76: {  	_ =	shalt  }
0x77: {  	_ =	shalt  }
0x78: {  	_ =	shalt  }
0x79: {  	_ =	shalt  }
0x7a: {  	_ =	shalt  }
0x7b: {  	_ =	shalt  }
0x7c: {  	_ =	shalt  }
0x7d: {  	_ =	shalt  }
0x7e: {  	_ =	shalt  }
0x7f: {  	_ =	shalt  }
0x80: {  	_ =	shalt  }
0x81: {  	_ =	shalt  }
0x82: {  	_ =	shalt  }
0x83: {  	_ =	shalt  }
0x84: {  	_ =	shalt  }
0x85: {  	_ =	shalt  }
0x86: {  	_ =	shalt  }
0x87: {  	_ =	shalt  }
.Lfunc_end0:
.L_simem_size_0:
called_computation.1_lowered:
.L_overlay_start_0:
0x88: {  	s2 =	sld [smem:$0x3FD9]  }
0x89: {  	s3 =	sld [smem:$0x3FFE];
	_ =	sdelay $0x1  }
0x8a: {  	s1 =	srdreg.scid  }
0x8b: {  	s0 =	sand.u32 $0x1, s1  }
0x8c: {  	s16 =	sshll.u32 s0, $0xA;
	s2 =	sadd.s32 s3, s2  }
0x8d: {  	s2 =	sadd.s32 s2, s16  }
0x8e: {  	[smem:$0x3FB6] =	sst s2  }
0x8f: {  	_ = 	snop  }
0x90: {  	(tm) =	ssettm $0x1  }
0x91: {  	s17 =	sld [smem:$0x3FFB];
	_ =	sdelay $0x3  }
0x92: {  	_ =	strace s17  }
0x93: {  	s2 =	sld [smem:$0x3FFC];
	_ =	sdelay $0x3  }
0x94: {  	_ =	strace s2  }
0x95: {  	s2 =	sld [smem:$0x3FFD];
	_ =	sdelay $0x3  }
0x96: {  	_ =	strace s2  }
0x97: {  	_ =	strace $0x8FFFFFFF  }
0x98: {  	s18 =	sld [smem:$0x3FDB];
	_ =	sdelay $0x1  }
0x99: {  	s19 =	simm.s32 $_scs_section_size  }
0x9a: {  	s4 =	simm.s32 $_size__tile_overlayer_lowered;
	s5 =	simm.s32 $_tile_overlayer_lowered  }
0x9b: {  	s22 =	simm.s32 $0x1BFF;
	s21 =	sshll.u32 s5, $0x1;
	s2 =	sadd.s32 s19, s18  }
0x9c: {  	s6 =	simm.s32 $0x0;
	s20 =	sshll.u32 s4, $0x1;
	s4 =	sadd.s32 s21, s2  }
0x9d: {  	[timem:s6], [sflag:s22] =	dma.local [hbm:s4], s20  }
0x9e: {  	_ =	swait.ge [sflag:s22], s20  }
0x9f: {  	s3 =	ssub.s32 $0x0, s20;
	[sflag:s22] =	ssyncset.done $0x0  }
0xa0: {  	[sflag:s22] =	ssyncadd.s32 s3;
	_ =	sdelay $0x1  }
0xa1: {  	s23 =	simm.s32 $0x1B8B  }
0xa2: {  	_ =	swait.ge [sflag:s23], $0x1  }
0xa3: {  	[sflag:s23] =	ssyncset.done $0x0  }
0xa4: {  	s25 =	simm.s32 $0x1B8E;
	s24 =	sld [smem:$0x3FFE];
	[sflag:s23] =	ssyncadd.s32 $0xFFFFFFFF  }
0xa5: {  	s26 =	simm.s32 $execute0_lowered;
	[smem:$0x3FD2] =	sst s25  }
0xa6: {  	s4 =	sshll.u32 s26, $0x1;
	_ =	strace $0x80000049;
	[dreg:$0x1] =	wrdreg $0xFFFFFFFF  }
0xa7: {  	s28 =	simm.s32 $_size_execute0_lowered;
	s2 =	sadd.s32 s2, s4;
	[dreg:$0x0] =	wrdreg $0x0  }
0xa8: {  	s4 =	sshll.u32 s28, $0x1;
	[dreg:$0x2] =	wrdreg s2  }
0xa9: {  	[dreg:$0x3] =	wrdreg s4  }
0xaa: {  	[dreg:$0x4] =	wrdreg $0xC0  }
0xab: {  	_ =	task [dreg:s6], $0x5FFFF  }
0xac: {  	[dreg:$0x1] =	wrdreg $0xFFFFFFFF  }
0xad: {  	[dreg:$0x0] =	wrdreg $0x60  }
0xae: {  	[dreg:$0x2] =	wrdreg s24  }
0xaf: {  	[dreg:$0x3] =	wrdreg $0x9  }
0xb0: {  	_ =	task.clear_ibuf [dreg:s6], $0x4FFFF;
	_ =	strace $0x90000049  }
0xb1: {  	s29 =	simm.s32 $0x9;
	_ =	strace $0x8000004B  }
0xb2: {  	_ =	swait.ge [sflag:s29], $0x1  }
0xb3: {  	[sflag:s29] =	ssyncadd.s32 $0xFFFFFFFF  }
0xb4: {  	_ =	strace $0x9000004B  }
0xb5: {  	_ =	sfence  }
0xb6: {  	s30 =	sld [smem:$0x0];
	_ =	sdelay $0x2  }
0xb7: {  	s31 =	sshll.u32 s1, $0xD;
	s1 =	sshrl.u32 s1, $0x2  }
0xb8: {  	s3 =	sand.u32 $0x4000, s31;
	s1 =	sadd.s32 s1, s30  }
0xb9: {  	s0 =	sor.u32 s3, s0;
	s1 =	sshll.u32 s1, $0x11  }
0xba: {  	s0 =	sor.u32 s1, s0  }
0xbb: {  	s0 =	sadd.s32 $0x8F2B, s0  }
0xbc: {  	[sflag:s0] =	ssyncadd.remote.s32 $0x1  }
0xbd: {  	_ =	sfence.sel $0xFFFF  }
0xbe: {  	[dreg:$0x0] =	wrdreg $0xFFFFFFFF;
	(pc) =	sbr.abs _section_cstart, $3  }
0xbf: {  	[dreg:$0x1] =	wrdreg $0xFFFFFFFF  }
0xc0: {  	_ =	task.clear_ibuf [dreg:s6], $0x2FFFF;
	_ =	strace $0x9FFFFFFF  }
0xc1: {  	(tm) =	ssettm $0x7FFFFFFF  }
tec
execute0_lowered:
.L_overlay_start_1:
0x0: {  	(tag) =	ssettag $0x1  }
0x1: {  	s1 =	srdreg.scid  }
0x2: {  	s0 =	stileid.u32;
	s19 =	sand.u32 $0x1, s1  }
0x3: {  	s30 =	sshll.u32 s0, $0xB;
	s2 =	sshll.u32 s19, $0xA  }
0x4: {  	s10 =	rddreg [dreg:$0x0];
	s11 =	sor.u32 s2, s30  }
0x5: {  	s1 =	rddreg [dreg:$0x1];
	s2 =	simm.s32 $0x0;
	s3 =	sshrl.u32 s11, $0x3  }
0x6: {  	[smem:$0x7FF] =	sst s2;
	s3 =	sadd.s32 s3, s10  }
0x7: {  	_ =	strace $0x8000004A;
	s4 =	sadd.s32 $0xB000, s3;
	s3 =	simm.s32 $0x2  }
0x8: {  	[tilespmem:s2], [sflag:$0x2] =	stream.linear.gather [hbm4b:s4+s2], $0x400, $0x38;
	[tilespmem:$0x8400] =	vst v63  }
0x9: {  	_ =	swait.ge [sflag:s3], $0x400  }
0xa: {  	s6 =	simm.s32 $0x80;
	[sflag:s3] =	ssyncset.done $0x0  }
0xb: {  	s7 =	simm.s32 $0x400;
	s5 =	sadd.s32 $0x323000, s10;
	[sflag:s3] =	ssyncadd.s32 $0xFFFFFC00  }
0xc: {  	[tilespmem:s7], [sflag:$0x1] =	stream.indirect.gather [hbm4b:s5+s6], $0x80, s2, s6, $0xb8;
	[tilespmem:$0x8400] =	vst v63  }
0xd: {  	s8 =	simm.s32 $0x4400;
	s9 =	simm.s32 $0x1  }
0xe: {  	[tilespmem:s8], [sflag:$0x1] =	stream.indirect.gather [hbm4b:s5+s6], $0x80, s6, s6, $0xb8;
	[tilespmem:$0x8400] =	vst v63  }
0xf: {  	_ =	swait.ge [sflag:s9], $0x4000  }
0x10: {  	[sflag:s9] =	ssyncset.done $0x0  }
0x11: {  	[sflag:s9] =	ssyncadd.s32 $0xFFFFC000  }
0x12: {  	s11 =	sshll.u32 s11, $0x4;
	_ =	swait.ge [sflag:s9], $0x4000  }
0x13: {  	s20 =	sadd.s32 s11, s10;
	[sflag:s9] =	ssyncset.done $0x0  }
0x14: {  	s10 =	sadd.s32 $0xC000, s20;
	[sflag:s9] =	ssyncadd.s32 $0xFFFFC000  }
0x15: {  	[hbm4b:s10+s2] =	stream.linear.scatter [tilespmem:s7], [sflag:$0x2], $0x8000, $0x38;
	[tilespmem:$0x8400] =	vst v63  }
0x16: {  	_ =	swait.ge [sflag:s3], $0x8000  }
0x17: {  	[sflag:s3] =	ssyncset.done $0x0  }
0x18: {  	s11 =	simm.s32 $0x100;
	[sflag:s3] =	ssyncadd.s32 $0xFFFF8000  }
0x19: {  	[tilespmem:s7], [sflag:$0x1] =	stream.indirect.gather [hbm4b:s5+s6], $0x80, s11, s6, $0xb8;
	[tilespmem:$0x8400] =	vst v63  }
0x1a: {  	s12 =	simm.s32 $0x180  }
0x1b: {  	[tilespmem:s8], [sflag:$0x1] =	stream.indirect.gather [hbm4b:s5+s6], $0x80, s12, s6, $0xb8;
	[tilespmem:$0x8400] =	vst v63  }
0x1c: {  	_ =	swait.ge [sflag:s9], $0x4000  }
0x1d: {  	[sflag:s9] =	ssyncset.done $0x0  }
0x1e: {  	[sflag:s9] =	ssyncadd.s32 $0xFFFFC000  }
0x1f: {  	_ =	swait.ge [sflag:s9], $0x4000  }
0x20: {  	[sflag:s9] =	ssyncset.done $0x0  }
0x21: {  	s13 =	sadd.s32 $0xD000, s20;
	[sflag:s9] =	ssyncadd.s32 $0xFFFFC000  }
0x22: {  	[hbm4b:s13+s2] =	stream.linear.scatter [tilespmem:s7], [sflag:$0x2], $0x8000, $0x38;
	[tilespmem:$0x8400] =	vst v63  }
0x23: {  	_ =	swait.ge [sflag:s3], $0x8000  }
0x24: {  	[sflag:s3] =	ssyncset.done $0x0  }
0x25: {  	s14 =	simm.s32 $0x200;
	[sflag:s3] =	ssyncadd.s32 $0xFFFF8000  }
0x26: {  	[tilespmem:s7], [sflag:$0x1] =	stream.indirect.gather [hbm4b:s5+s6], $0x80, s14, s6, $0xb8;
	[tilespmem:$0x8400] =	vst v63  }
0x27: {  	s15 =	simm.s32 $0x280  }
0x28: {  	[tilespmem:s8], [sflag:$0x1] =	stream.indirect.gather [hbm4b:s5+s6], $0x80, s15, s6, $0xb8;
	[tilespmem:$0x8400] =	vst v63  }
0x29: {  	_ =	swait.ge [sflag:s9], $0x4000  }
0x2a: {  	[sflag:s9] =	ssyncset.done $0x0  }
0x2b: {  	[sflag:s9] =	ssyncadd.s32 $0xFFFFC000  }
0x2c: {  	_ =	swait.ge [sflag:s9], $0x4000  }
0x2d: {  	[sflag:s9] =	ssyncset.done $0x0  }
0x2e: {  	s16 =	sadd.s32 $0xE000, s20;
	[sflag:s9] =	ssyncadd.s32 $0xFFFFC000  }
0x2f: {  	[hbm4b:s16+s2] =	stream.linear.scatter [tilespmem:s7], [sflag:$0x2], $0x8000, $0x38;
	[tilespmem:$0x8400] =	vst v63  }
0x30: {  	_ =	swait.ge [sflag:s3], $0x8000  }
0x31: {  	[sflag:s3] =	ssyncset.done $0x0  }
0x32: {  	s17 =	simm.s32 $0x300;
	[sflag:s3] =	ssyncadd.s32 $0xFFFF8000  }
0x33: {  	[tilespmem:s7], [sflag:$0x1] =	stream.indirect.gather [hbm4b:s5+s6], $0x80, s17, s6, $0xb8;
	[tilespmem:$0x8400] =	vst v63  }
0x34: {  	s18 =	simm.s32 $0x380;
	s19 =	ssub.s32 $0x2, s19  }
0x35: {  	[tilespmem:s8], [sflag:$0x1] =	stream.indirect.gather [hbm4b:s5+s6], $0x80, s18, s6, $0xb8;
	[tilespmem:$0x8400] =	vst v63  }
0x36: {  	s21 =	sshrl.u32 s19, $0x1;
	_ =	swait.ge [sflag:s9], $0x4000  }
0x37: {  	s21 =	ssub.s32 s19, s21;
	[sflag:s9] =	ssyncset.done $0x0  }
0x38: {  	s31 =	smax.u32 s21, $0x1;
	[sflag:s9] =	ssyncadd.s32 $0xFFFFC000  }
0x39: {  	p0 =	sne.s32 s31, $0x1;
	_ =	swait.ge [sflag:s9], $0x4000  }
.Ltmp0:
0x3a: {  	[sflag:s9] =	ssyncset.done $0x0;
	(pc) =	sbr.rel @!p0 .LBB2_2-.Ltmp0, $4  }
0x3b: {  	s19 =	sadd.s32 $0xF000, s20;
	[sflag:s9] =	ssyncadd.s32 $0xFFFFC000  }
0x3c: {  	[hbm4b:s19+s2] =	stream.linear.scatter [tilespmem:s7], [sflag:$0x2], $0x8000, $0x38;
	[tilespmem:$0x8400] =	vst v63  }
0x3d: {  	_ =	swait.ge [sflag:s3], $0x8000  }
0x3e: {  	s20 =	sadd.s32 $0xFFFFFFFF, s31;
	[sflag:s3] =	ssyncset.done $0x0  }
.LBB2_1:
0x3f: {  	p0 =	sne.s32 s20, $0x1;
	s20 =	sadd.s32 $0xFFFFFFFF, s20;
	[sflag:s3] =	ssyncadd.s32 $0xFFFF8000  }
0x40: {  	[tilespmem:s2], [sflag:$0x2] =	stream.linear.gather [hbm4b:s4+s2], $0x400, $0x38;
	[tilespmem:$0x8400] =	vst v63  }
0x41: {  	_ =	swait.ge [sflag:s3], $0x400  }
0x42: {  	[sflag:s3] =	ssyncset.done $0x0  }
0x43: {  	[sflag:s3] =	ssyncadd.s32 $0xFFFFFC00  }
0x44: {  	[tilespmem:s7], [sflag:$0x1] =	stream.indirect.gather [hbm4b:s5+s6], $0x80, s2, s6, $0xb8;
	[tilespmem:$0x8400] =	vst v63  }
0x45: {  	_ = 	snop  }
0x46: {  	[tilespmem:s8], [sflag:$0x1] =	stream.indirect.gather [hbm4b:s5+s6], $0x80, s6, s6, $0xb8;
	[tilespmem:$0x8400] =	vst v63  }
0x47: {  	_ =	swait.ge [sflag:s9], $0x4000  }
0x48: {  	[sflag:s9] =	ssyncset.done $0x0  }
0x49: {  	[sflag:s9] =	ssyncadd.s32 $0xFFFFC000  }
0x4a: {  	_ =	swait.ge [sflag:s9], $0x4000  }
0x4b: {  	[sflag:s9] =	ssyncset.done $0x0  }
0x4c: {  	[sflag:s9] =	ssyncadd.s32 $0xFFFFC000  }
0x4d: {  	[hbm4b:s10+s2] =	stream.linear.scatter [tilespmem:s7], [sflag:$0x2], $0x8000, $0x38;
	[tilespmem:$0x8400] =	vst v63  }
0x4e: {  	_ =	swait.ge [sflag:s3], $0x8000  }
0x4f: {  	[sflag:s3] =	ssyncset.done $0x0  }
0x50: {  	[sflag:s3] =	ssyncadd.s32 $0xFFFF8000  }
0x51: {  	[tilespmem:s7], [sflag:$0x1] =	stream.indirect.gather [hbm4b:s5+s6], $0x80, s11, s6, $0xb8;
	[tilespmem:$0x8400] =	vst v63  }
0x52: {  	_ = 	snop  }
0x53: {  	[tilespmem:s8], [sflag:$0x1] =	stream.indirect.gather [hbm4b:s5+s6], $0x80, s12, s6, $0xb8;
	[tilespmem:$0x8400] =	vst v63  }
0x54: {  	_ =	swait.ge [sflag:s9], $0x4000  }
0x55: {  	[sflag:s9] =	ssyncset.done $0x0  }
0x56: {  	[sflag:s9] =	ssyncadd.s32 $0xFFFFC000  }
0x57: {  	_ =	swait.ge [sflag:s9], $0x4000  }
0x58: {  	[sflag:s9] =	ssyncset.done $0x0  }
0x59: {  	[sflag:s9] =	ssyncadd.s32 $0xFFFFC000  }
0x5a: {  	[hbm4b:s13+s2] =	stream.linear.scatter [tilespmem:s7], [sflag:$0x2], $0x8000, $0x38;
	[tilespmem:$0x8400] =	vst v63  }
0x5b: {  	_ =	swait.ge [sflag:s3], $0x8000  }
0x5c: {  	[sflag:s3] =	ssyncset.done $0x0  }
0x5d: {  	[sflag:s3] =	ssyncadd.s32 $0xFFFF8000  }
0x5e: {  	[tilespmem:s7], [sflag:$0x1] =	stream.indirect.gather [hbm4b:s5+s6], $0x80, s14, s6, $0xb8;
	[tilespmem:$0x8400] =	vst v63  }
0x5f: {  	_ = 	snop  }
0x60: {  	[tilespmem:s8], [sflag:$0x1] =	stream.indirect.gather [hbm4b:s5+s6], $0x80, s15, s6, $0xb8;
	[tilespmem:$0x8400] =	vst v63  }
0x61: {  	_ =	swait.ge [sflag:s9], $0x4000  }
0x62: {  	[sflag:s9] =	ssyncset.done $0x0  }
0x63: {  	[sflag:s9] =	ssyncadd.s32 $0xFFFFC000  }
0x64: {  	_ =	swait.ge [sflag:s9], $0x4000  }
0x65: {  	[sflag:s9] =	ssyncset.done $0x0  }
0x66: {  	[sflag:s9] =	ssyncadd.s32 $0xFFFFC000  }
0x67: {  	[hbm4b:s16+s2] =	stream.linear.scatter [tilespmem:s7], [sflag:$0x2], $0x8000, $0x38;
	[tilespmem:$0x8400] =	vst v63  }
0x68: {  	_ =	swait.ge [sflag:s3], $0x8000  }
0x69: {  	[sflag:s3] =	ssyncset.done $0x0  }
0x6a: {  	[sflag:s3] =	ssyncadd.s32 $0xFFFF8000  }
0x6b: {  	[tilespmem:s7], [sflag:$0x1] =	stream.indirect.gather [hbm4b:s5+s6], $0x80, s17, s6, $0xb8;
	[tilespmem:$0x8400] =	vst v63  }
0x6c: {  	_ = 	snop  }
0x6d: {  	[tilespmem:s8], [sflag:$0x1] =	stream.indirect.gather [hbm4b:s5+s6], $0x80, s18, s6, $0xb8;
	[tilespmem:$0x8400] =	vst v63  }
0x6e: {  	_ =	swait.ge [sflag:s9], $0x4000  }
0x6f: {  	[sflag:s9] =	ssyncset.done $0x0  }
0x70: {  	[sflag:s9] =	ssyncadd.s32 $0xFFFFC000  }
0x71: {  	_ =	swait.ge [sflag:s9], $0x4000  }
.Ltmp1:
0x72: {  	[sflag:s9] =	ssyncset.done $0x0;
	(pc) =	sbr.rel @p0 .LBB2_1-.Ltmp1, $4  }
0x73: {  	[sflag:s9] =	ssyncadd.s32 $0xFFFFC000  }
0x74: {  	[hbm4b:s19+s2] =	stream.linear.scatter [tilespmem:s7], [sflag:$0x2], $0x8000, $0x38;
	[tilespmem:$0x8400] =	vst v63  }
0x75: {  	_ =	swait.ge [sflag:s3], $0x8000  }
0x76: {  	[sflag:s3] =	ssyncset.done $0x0  }
.LBB2_2:
0x77: {  	[sflag:s3] =	ssyncadd.s32 $0xFFFF8000  }
0x78: {  	_ =	sfence.sel $0x180000  }
0x79: {  	[bflag:$0x0] =	sbarrier.arrive $0xFFFF  }
0x7a: {  	p0 =	sne.s32 s0, $0x0;
	_ =	strace $0x9000004A  }
0x7b: {  	s0 =	sadd.s32 @!p0 $0x100000, s1;
	[bflag:$0x2] =	sbarrier.arrive $0xFFFF  }
0x7c: {  	[sflag:s0] =	ssyncadd.tile.s32 @!p0 $0x1;
	_ =	shalt  }
.Lfunc_end2:
_tile_overlayer_lowered:
.L_overlay_start_2:
0x7d: {  	(tag) =	ssettag $0x2  }
0x7e: {  	s0 =	rddreg [dreg:$0x0];
	s2 =	stileid.u32  }
0x7f: {  	s1 =	rddreg [dreg:$0x1];
	p0 =	sne.s32 s2, $0x0  }
0x80: {  	s3 =	rddreg [dreg:$0x2];
	[bflag:$0x3] =	sbarrier.arrive $0xFFFF;
	s2 =	simm.s32 @!p0 $0x1C02  }
0x81: {  	[timem:s3], [sflag:s2] =	dma.local @!p0 [hbm:s0], s1  }
0x82: {  	s0 =	simm.s32 @!p0 $0x2  }
0x83: {  	_ =	swait.ge @!p0 [sflag:s0], s1  }
0x84: {  	s1 =	ssub.s32 @!p0 $0x0, s1;
	[sflag:s0] =	ssyncset.done @!p0 $0x0  }
0x85: {  	[sflag:s0] =	ssyncadd.s32 @!p0 s1  }
0x86: {  	[bflag:$0x3] =	sbarrier.arrive $0xFFFF  }
0x87: {  	_ =	shalt  }

</sc_bundles>
